<compile_context>
chip_gen: v7x
topology: tpu7x:2x2x1
jax: 0.10.2.dev20260603
libtpu: 0.0.44.dev20260713+nightly
codegen_flags: <defaults>
</compile_context>

<pallas_src>
import jax
import jax.numpy as jnp
from jax import lax
from jax.experimental import pallas as pl
from jax.experimental.pallas import tpu as pltpu
from jax.experimental.pallas import tpu_sc as plsc

LATENT = 128
HIDDEN = 256
OUT_DIM = 1
B_GRAPHS = 500
NPG = 200
ROW = NPG * LATENT

NC = 2
NS = 16
NW = NC * NS
LANES = 16
NCHUNK = LATENT // LANES

K_SC = 192
K_TC = B_GRAPHS - K_SC
SC_ITERS = K_SC // NW
G_BLK = 48
TC_STEPS = -(-K_TC // G_BLK)
TC_OFF = K_SC // G_BLK


def _sc_pool_body(feat_hbm, out_hbm, buf, rowbuf, sem0, sem1):
    wid = lax.axis_index("s") * NC + lax.axis_index("c")

    def copy_for(i, slot, sem):
        g = wid + i * NW
        return pltpu.make_async_copy(
            feat_hbm.at[pl.ds(g * ROW, ROW)], buf.at[slot], sem)

    def consume(i, slot, sem):
        g = wid + i * NW
        copy_for(i, slot, sem).wait()

        def acc_body(r, c):
            base = r * LATENT
            return tuple(
                c[j] + buf[slot, pl.ds(base + j * LANES, LANES)]
                for j in range(NCHUNK))

        zeros = tuple(
            jnp.zeros((LANES,), jnp.float32) for _ in range(NCHUNK))
        sums = plsc.parallel_loop(
            0, NPG, 1, unroll=2, carry=zeros)(acc_body)
        for j in range(NCHUNK):
            rowbuf[0, pl.ds(j * LANES, LANES)] = sums[j]
        pltpu.sync_copy(rowbuf, out_hbm.at[pl.ds(g, 1)])

    copy_for(0, 0, sem0).start()

    def pair_body(k, carry):
        i0 = 2 * k
        copy_for(i0 + 1, 1, sem1).start()
        consume(i0, 0, sem0)

        @pl.when(i0 + 2 < SC_ITERS)
        def _():
            copy_for(i0 + 2, 0, sem0).start()

        consume(i0 + 1, 1, sem1)
        return carry

    lax.fori_loop(0, SC_ITERS // 2, pair_body, 0)


def _sc_pool(feat_flat):
    mesh = plsc.VectorSubcoreMesh(
        core_axis_name="c", subcore_axis_name="s", num_cores=NC,
        num_subcores=NS)
    return pl.kernel(
        _sc_pool_body,
        out_type=jax.ShapeDtypeStruct((K_SC, LATENT), jnp.float32),
        mesh=mesh,
        scratch_types=[
            pltpu.VMEM((2, ROW), jnp.float32),
            pltpu.VMEM((1, LATENT), jnp.float32),
            pltpu.SemaphoreType.DMA,
            pltpu.SemaphoreType.DMA,
        ],
    )(feat_flat)


def _tc_pool_kernel(feat_ref, out_ref):
    out_ref[...] = jnp.sum(feat_ref[...], axis=1)


def _tc_pool(feat3):
    return pl.pallas_call(
        _tc_pool_kernel,
        grid=(TC_STEPS,),
        in_specs=[
            pl.BlockSpec((G_BLK, NPG, LATENT), lambda i: (TC_OFF + i, 0, 0)),
        ],
        out_specs=pl.BlockSpec((G_BLK, LATENT), lambda i: (i, 0)),
        out_shape=jax.ShapeDtypeStruct((K_TC, LATENT), jnp.float32),
    )(feat3)


def _mlp_kernel(sc_ref, tc_ref, n_ref, w1_ref, b1_ref, w2_ref, b2_ref,
                w3_ref, b3_ref, out_ref):
    def head(pooled):
        h = jnp.maximum(
            jnp.dot(pooled, w1_ref[...], preferred_element_type=jnp.float32)
            + b1_ref[...], 0.0)
        h = jnp.maximum(
            jnp.dot(h, w2_ref[...], preferred_element_type=jnp.float32)
            + b2_ref[...], 0.0)
        return (jnp.dot(h, w3_ref[...], preferred_element_type=jnp.float32)
                + b3_ref[...])

    n = n_ref[...].astype(jnp.float32)
    out_ref[:K_SC] = head(sc_ref[...] / n[:K_SC])
    out_ref[K_SC:] = head(tc_ref[...] / n[K_SC:])


def _tc_mlp(sc_sums, tc_sums, n_node, W1, b1, W2, b2, W3, b3):
    return pl.pallas_call(
        _mlp_kernel,
        out_shape=jax.ShapeDtypeStruct((B_GRAPHS, OUT_DIM), jnp.float32),
    )(sc_sums, tc_sums, n_node.reshape(B_GRAPHS, 1), W1, b1, W2, b2, W3, b3)


@jax.jit
def kernel(feat, n_node, W1, b1, W2, b2, W3, b3):
    sc_sums = _sc_pool(feat.reshape(-1))
    tc_sums = _tc_pool(feat.reshape(B_GRAPHS, NPG, LATENT))
    return _tc_mlp(sc_sums, tc_sums, n_node, W1, b1, W2, b2, W3, b3)

# --- scband reference (transcript-rebuilt; emitter-appended) ---
"""Pipeline reference for scband-graph-head-40604620816461 (READ-ONLY COPY).

The authoritative reference and input builder live on the scoring server;
editing this copy changes nothing except your own understanding.
"""

import jax, jax.numpy as jnp
import numpy as np

LATENT = 128
HIDDEN = 256
OUT_DIM = 1
B_GRAPHS = 500
NODES_PER_GRAPH = 200
N_NODES = B_GRAPHS * NODES_PER_GRAPH  # 100000


def setup_inputs(seed: int = 0) -> dict:
    key = jax.random.key(seed)
    ks = jax.random.split(key, 8)
    feat = jax.random.normal(ks[0], (N_NODES, LATENT), dtype=jnp.float32)
    # n_node: number of nodes per graph (sums to N_NODES); constant 200 per graph
    n_node = jnp.full((B_GRAPHS,), NODES_PER_GRAPH, dtype=jnp.int32)
    # MLP params: build_mlp(latent_dim, [hidden]*2, out_dim) => Linear-ReLU, Linear-ReLU, Linear
    W1 = jax.random.normal(ks[1], (LATENT, HIDDEN), dtype=jnp.float32) * (1.0 / np.sqrt(LATENT))
    b1 = jnp.zeros((HIDDEN,), dtype=jnp.float32)
    W2 = jax.random.normal(ks[2], (HIDDEN, HIDDEN), dtype=jnp.float32) * (1.0 / np.sqrt(HIDDEN))
    b2 = jnp.zeros((HIDDEN,), dtype=jnp.float32)
    W3 = jax.random.normal(ks[3], (HIDDEN, OUT_DIM), dtype=jnp.float32) * (1.0 / np.sqrt(HIDDEN))
    b3 = jnp.zeros((OUT_DIM,), dtype=jnp.float32)
    return {"feat": feat, "n_node": n_node, "W1": W1, "b1": b1, "W2": W2, "b2": b2, "W3": W3, "b3": b3}


def reference(feat, n_node, W1, b1, W2, b2, W3, b3):
    # segment_ops.aggregate_nodes(feat, n_node, reduction='mean')
    Bg = n_node.shape[0]
    segment_ids = jnp.repeat(jnp.arange(Bg, dtype=jnp.int32), n_node,
                             total_repeat_length=feat.shape[0])
    summed = jax.ops.segment_sum(feat, segment_ids, num_segments=Bg)
    pooled = summed / n_node[:, None].astype(feat.dtype)
    # MLP (dropout=None, eval mode)
    h = jax.nn.relu(pooled @ W1 + b1)
    h = jax.nn.relu(h @ W2 + b2)
    pred = h @ W3 + b3  # stored as batch.system_features['graph_pred']
    return pred

if __name__ == "__main__":
    import jax
    _d = setup_inputs()
    print(jax.jit(kernel)(*tuple(_d.values())))

</pallas_src>

<mosaic_0001>
#map = affine_map<(d0, d1) -> (0)>
#map1 = affine_map<(d0, d1) -> (0, 0)>
module attributes {stable_mosaic.version = 14 : i64} {
  func.func @_sc_pool_body(%arg0: i32, %arg1: i32, %arg2: memref<12800000xf32, #tpu.memory_space<hbm>>, %arg3: memref<192x128xf32, #tpu.memory_space<hbm>>, %arg4: memref<2x25600xf32, #tpu.memory_space<vmem>>, %arg5: memref<1x128xf32, #tpu.memory_space<vmem>>, %arg6: memref<!tpu.dma_semaphore, #tpu.memory_space<semaphore_mem>>, %arg7: memref<!tpu.dma_semaphore, #tpu.memory_space<semaphore_mem>>) attributes {dimension_semantics = [#tpu.dimension_semantics<core_parallel>, #tpu.dimension_semantics<subcore_parallel>], iteration_bounds = array<i64: 2, 16>, scalar_prefetch = 0 : i64, scratch_operands = 4 : i64, tpu.core_type = #tpu.core_type<sc_vector_subcore>, window_params = [{transform_indices = #map}, {transform_indices = #map1}]} {
    %mul3A = arith.constant 2 : i32
    %mul3A_0 = arith.muli %arg1, %mul3A : i32
    %add3A = arith.addi %mul3A_0, %arg0 : i32
    %add3A_1 = arith.constant 0 : i32
    %add3A_2 = arith.addi %add3A, %add3A_1 : i32
    %mul3A_3 = arith.constant 25600 : i32
    %mul3A_4 = arith.muli %add3A_2, %mul3A_3 : i32
    %dma_start3A = arith.constant 0 : i32
    %dma_start3A_5 = arith.constant 0 : i32
    %dma_start3A_6 = tpu.memref_slice %arg4[%dma_start3A, %dma_start3A_5] : memref<2x25600xf32, #tpu.memory_space<vmem>> -> memref<1x25600xf32, #tpu.memory_space<vmem>>
    %dma_start3A_7 = tpu.memref_squeeze %dma_start3A_6 : memref<1x25600xf32, #tpu.memory_space<vmem>> -> memref<25600xf32, #tpu.memory_space<vmem>>
    %dma_start3A_8 = tpu.memref_slice %arg2[%mul3A_4] : memref<12800000xf32, #tpu.memory_space<hbm>> -> memref<25600xf32, #tpu.memory_space<hbm>>
    %dma_start3A_9 = arith.constant 0 : i32
    %dma_start3A_10 = tpu.memref_slice %arg4[%dma_start3A, %dma_start3A_9] : memref<2x25600xf32, #tpu.memory_space<vmem>> -> memref<1x25600xf32, #tpu.memory_space<vmem>>
    %dma_start3A_11 = tpu.memref_squeeze %dma_start3A_10 : memref<1x25600xf32, #tpu.memory_space<vmem>> -> memref<25600xf32, #tpu.memory_space<vmem>>
    %dma_start3A_12 = tpu.memref_slice %arg2[%mul3A_4] : memref<12800000xf32, #tpu.memory_space<hbm>> -> memref<25600xf32, #tpu.memory_space<hbm>>
    tpu.enqueue_dma source(%dma_start3A_12 : memref<25600xf32, #tpu.memory_space<hbm>>) target(%dma_start3A_11 : memref<25600xf32, #tpu.memory_space<vmem>>) target_semaphore(%arg6 : memref<!tpu.dma_semaphore, #tpu.memory_space<semaphore_mem>>)
    %scan3A = arith.constant 0 : i32
    %scan3A_13 = arith.constant 0 : i32
    %scan3A_14 = arith.constant 3 : i32
    %scan3A_15 = arith.addi %scan3A_13, %scan3A_14 : i32
    %scan3A_16 = arith.constant 1 : i32
    scf.for %scan3A_18 = %scan3A_13 to %scan3A_15 step %scan3A_16  : i32 {
      %mul3A_19 = arith.constant 2 : i32
      %mul3A_20 = arith.muli %mul3A_19, %scan3A_18 : i32
      %add3A_21 = arith.constant 1 : i32
      %add3A_22 = arith.addi %mul3A_20, %add3A_21 : i32
      %mul3A_23 = arith.constant 32 : i32
      %mul3A_24 = arith.muli %add3A_22, %mul3A_23 : i32
      %add3A_25 = arith.addi %add3A, %mul3A_24 : i32
      %mul3A_26 = arith.constant 25600 : i32
      %mul3A_27 = arith.muli %add3A_25, %mul3A_26 : i32
      %dma_start3A_28 = arith.constant 1 : i32
      %dma_start3A_29 = arith.constant 0 : i32
      %dma_start3A_30 = tpu.memref_slice %arg4[%dma_start3A_28, %dma_start3A_29] : memref<2x25600xf32, #tpu.memory_space<vmem>> -> memref<1x25600xf32, #tpu.memory_space<vmem>>
      %dma_start3A_31 = tpu.memref_squeeze %dma_start3A_30 : memref<1x25600xf32, #tpu.memory_space<vmem>> -> memref<25600xf32, #tpu.memory_space<vmem>>
      %dma_start3A_32 = tpu.memref_slice %arg2[%mul3A_27] : memref<12800000xf32, #tpu.memory_space<hbm>> -> memref<25600xf32, #tpu.memory_space<hbm>>
      %dma_start3A_33 = arith.constant 0 : i32
      %dma_start3A_34 = tpu.memref_slice %arg4[%dma_start3A_28, %dma_start3A_33] : memref<2x25600xf32, #tpu.memory_space<vmem>> -> memref<1x25600xf32, #tpu.memory_space<vmem>>
      %dma_start3A_35 = tpu.memref_squeeze %dma_start3A_34 : memref<1x25600xf32, #tpu.memory_space<vmem>> -> memref<25600xf32, #tpu.memory_space<vmem>>
      %dma_start3A_36 = tpu.memref_slice %arg2[%mul3A_27] : memref<12800000xf32, #tpu.memory_space<hbm>> -> memref<25600xf32, #tpu.memory_space<hbm>>
      tpu.enqueue_dma source(%dma_start3A_36 : memref<25600xf32, #tpu.memory_space<hbm>>) target(%dma_start3A_35 : memref<25600xf32, #tpu.memory_space<vmem>>) target_semaphore(%arg7 : memref<!tpu.dma_semaphore, #tpu.memory_space<semaphore_mem>>)
      %mul3A_37 = arith.constant 32 : i32
      %mul3A_38 = arith.muli %mul3A_20, %mul3A_37 : i32
      %add3A_39 = arith.addi %add3A, %mul3A_38 : i32
      %mul3A_40 = arith.constant 32 : i32
      %mul3A_41 = arith.muli %mul3A_20, %mul3A_40 : i32
      %add3A_42 = arith.addi %add3A, %mul3A_41 : i32
      %mul3A_43 = arith.constant 25600 : i32
      %mul3A_44 = arith.muli %add3A_42, %mul3A_43 : i32
      %dma_wait3A = arith.constant 0 : i32
      %dma_wait3A_45 = arith.constant 0 : i32
      %dma_wait3A_46 = tpu.memref_slice %arg4[%dma_wait3A, %dma_wait3A_45] : memref<2x25600xf32, #tpu.memory_space<vmem>> -> memref<1x25600xf32, #tpu.memory_space<vmem>>
      %dma_wait3A_47 = tpu.memref_squeeze %dma_wait3A_46 : memref<1x25600xf32, #tpu.memory_space<vmem>> -> memref<25600xf32, #tpu.memory_space<vmem>>
      %dma_wait3A_48 = tpu.memref_slice %arg2[%mul3A_44] : memref<12800000xf32, #tpu.memory_space<hbm>> -> memref<25600xf32, #tpu.memory_space<hbm>>
      %dma_wait3A_49 = arith.constant 0 : i32
      %dma_wait3A_50 = tpu.memref_slice %arg4[%dma_wait3A, %dma_wait3A_49] : memref<2x25600xf32, #tpu.memory_space<vmem>> -> memref<1x25600xf32, #tpu.memory_space<vmem>>
      %dma_wait3A_51 = tpu.memref_squeeze %dma_wait3A_50 : memref<1x25600xf32, #tpu.memory_space<vmem>> -> memref<25600xf32, #tpu.memory_space<vmem>>
      %dma_wait3A_52 = tpu.memref_slice %arg2[%mul3A_44] : memref<12800000xf32, #tpu.memory_space<hbm>> -> memref<25600xf32, #tpu.memory_space<hbm>>
      tpu.wait_dma2 semaphore(%arg6 : memref<!tpu.dma_semaphore, #tpu.memory_space<semaphore_mem>>) src(%dma_wait3A_52 : memref<25600xf32, #tpu.memory_space<hbm>>) dst(%dma_wait3A_51 : memref<25600xf32, #tpu.memory_space<vmem>>)
      %broadcast_in_dim3A = arith.constant 0.000000e+00 : f32
      %broadcast_in_dim3A_53 = vector.broadcast %broadcast_in_dim3A : f32 to vector<16xf32>
      %broadcast_in_dim3A_54 = arith.constant 0.000000e+00 : f32
      %broadcast_in_dim3A_55 = vector.broadcast %broadcast_in_dim3A_54 : f32 to vector<16xf32>
      %broadcast_in_dim3A_56 = arith.constant 0.000000e+00 : f32
      %broadcast_in_dim3A_57 = vector.broadcast %broadcast_in_dim3A_56 : f32 to vector<16xf32>
      %broadcast_in_dim3A_58 = arith.constant 0.000000e+00 : f32
      %broadcast_in_dim3A_59 = vector.broadcast %broadcast_in_dim3A_58 : f32 to vector<16xf32>
      %broadcast_in_dim3A_60 = arith.constant 0.000000e+00 : f32
      %broadcast_in_dim3A_61 = vector.broadcast %broadcast_in_dim3A_60 : f32 to vector<16xf32>
      %broadcast_in_dim3A_62 = arith.constant 0.000000e+00 : f32
      %broadcast_in_dim3A_63 = vector.broadcast %broadcast_in_dim3A_62 : f32 to vector<16xf32>
      %broadcast_in_dim3A_64 = arith.constant 0.000000e+00 : f32
      %broadcast_in_dim3A_65 = vector.broadcast %broadcast_in_dim3A_64 : f32 to vector<16xf32>
      %broadcast_in_dim3A_66 = arith.constant 0.000000e+00 : f32
      %broadcast_in_dim3A_67 = vector.broadcast %broadcast_in_dim3A_66 : f32 to vector<16xf32>
      %parallel_loop3A = arith.constant 0 : i32
      %parallel_loop3A_68 = arith.constant 200 : i32
      %parallel_loop3A_69 = arith.constant 1 : i32
      %parallel_loop3A_70:8 = scf.for %parallel_loop3A_209 = %parallel_loop3A to %parallel_loop3A_68 step %parallel_loop3A_69 iter_args(%parallel_loop3A_210 = %broadcast_in_dim3A_53, %parallel_loop3A_211 = %broadcast_in_dim3A_55, %parallel_loop3A_212 = %broadcast_in_dim3A_57, %parallel_loop3A_213 = %broadcast_in_dim3A_59, %parallel_loop3A_214 = %broadcast_in_dim3A_61, %parallel_loop3A_215 = %broadcast_in_dim3A_63, %parallel_loop3A_216 = %broadcast_in_dim3A_65, %parallel_loop3A_217 = %broadcast_in_dim3A_67) -> (vector<16xf32>, vector<16xf32>, vector<16xf32>, vector<16xf32>, vector<16xf32>, vector<16xf32>, vector<16xf32>, vector<16xf32>)  : i32 {
        %parallel_loop3A_218 = arith.constant 128 : i32
        %parallel_loop3A_219 = arith.muli %parallel_loop3A_209, %parallel_loop3A_218 : i32
        %parallel_loop3A_220 = arith.constant 0 : i32
        %parallel_loop3A_221 = arith.addi %parallel_loop3A_219, %parallel_loop3A_220 : i32
        %parallel_loop3A_222 = arith.constant 0 : i32
        %parallel_loop3A_223 = arith.index_cast %parallel_loop3A_222 : i32 to index
        %parallel_loop3A_224 = arith.index_cast %parallel_loop3A_221 : i32 to index
        %parallel_loop3A_225 = tpu.vector_load %arg4[%parallel_loop3A_223, %parallel_loop3A_224] {strides = array<i32>} : memref<2x25600xf32, #tpu.memory_space<vmem>>, vector<1x16xf32>,
        %parallel_loop3A_226 = vector.shape_cast %parallel_loop3A_225 : vector<1x16xf32> to vector<16xf32>
        %parallel_loop3A_227 = arith.addf %parallel_loop3A_210, %parallel_loop3A_226 : vector<16xf32>
        %parallel_loop3A_228 = arith.constant 16 : i32
        %parallel_loop3A_229 = arith.addi %parallel_loop3A_219, %parallel_loop3A_228 : i32
        %parallel_loop3A_230 = arith.constant 0 : i32
        %parallel_loop3A_231 = arith.index_cast %parallel_loop3A_230 : i32 to index
        %parallel_loop3A_232 = arith.index_cast %parallel_loop3A_229 : i32 to index
        %parallel_loop3A_233 = tpu.vector_load %arg4[%parallel_loop3A_231, %parallel_loop3A_232] {strides = array<i32>} : memref<2x25600xf32, #tpu.memory_space<vmem>>, vector<1x16xf32>,
        %parallel_loop3A_234 = vector.shape_cast %parallel_loop3A_233 : vector<1x16xf32> to vector<16xf32>
        %parallel_loop3A_235 = arith.addf %parallel_loop3A_211, %parallel_loop3A_234 : vector<16xf32>
        %parallel_loop3A_236 = arith.constant 32 : i32
        %parallel_loop3A_237 = arith.addi %parallel_loop3A_219, %parallel_loop3A_236 : i32
        %parallel_loop3A_238 = arith.constant 0 : i32
        %parallel_loop3A_239 = arith.index_cast %parallel_loop3A_238 : i32 to index
        %parallel_loop3A_240 = arith.index_cast %parallel_loop3A_237 : i32 to index
        %parallel_loop3A_241 = tpu.vector_load %arg4[%parallel_loop3A_239, %parallel_loop3A_240] {strides = array<i32>} : memref<2x25600xf32, #tpu.memory_space<vmem>>, vector<1x16xf32>,
        %parallel_loop3A_242 = vector.shape_cast %parallel_loop3A_241 : vector<1x16xf32> to vector<16xf32>
        %parallel_loop3A_243 = arith.addf %parallel_loop3A_212, %parallel_loop3A_242 : vector<16xf32>
        %parallel_loop3A_244 = arith.constant 48 : i32
        %parallel_loop3A_245 = arith.addi %parallel_loop3A_219, %parallel_loop3A_244 : i32
        %parallel_loop3A_246 = arith.constant 0 : i32
        %parallel_loop3A_247 = arith.index_cast %parallel_loop3A_246 : i32 to index
        %parallel_loop3A_248 = arith.index_cast %parallel_loop3A_245 : i32 to index
        %parallel_loop3A_249 = tpu.vector_load %arg4[%parallel_loop3A_247, %parallel_loop3A_248] {strides = array<i32>} : memref<2x25600xf32, #tpu.memory_space<vmem>>, vector<1x16xf32>,
        %parallel_loop3A_250 = vector.shape_cast %parallel_loop3A_249 : vector<1x16xf32> to vector<16xf32>
        %parallel_loop3A_251 = arith.addf %parallel_loop3A_213, %parallel_loop3A_250 : vector<16xf32>
        %parallel_loop3A_252 = arith.constant 64 : i32
        %parallel_loop3A_253 = arith.addi %parallel_loop3A_219, %parallel_loop3A_252 : i32
        %parallel_loop3A_254 = arith.constant 0 : i32
        %parallel_loop3A_255 = arith.index_cast %parallel_loop3A_254 : i32 to index
        %parallel_loop3A_256 = arith.index_cast %parallel_loop3A_253 : i32 to index
        %parallel_loop3A_257 = tpu.vector_load %arg4[%parallel_loop3A_255, %parallel_loop3A_256] {strides = array<i32>} : memref<2x25600xf32, #tpu.memory_space<vmem>>, vector<1x16xf32>,
        %parallel_loop3A_258 = vector.shape_cast %parallel_loop3A_257 : vector<1x16xf32> to vector<16xf32>
        %parallel_loop3A_259 = arith.addf %parallel_loop3A_214, %parallel_loop3A_258 : vector<16xf32>
        %parallel_loop3A_260 = arith.constant 80 : i32
        %parallel_loop3A_261 = arith.addi %parallel_loop3A_219, %parallel_loop3A_260 : i32
        %parallel_loop3A_262 = arith.constant 0 : i32
        %parallel_loop3A_263 = arith.index_cast %parallel_loop3A_262 : i32 to index
        %parallel_loop3A_264 = arith.index_cast %parallel_loop3A_261 : i32 to index
        %parallel_loop3A_265 = tpu.vector_load %arg4[%parallel_loop3A_263, %parallel_loop3A_264] {strides = array<i32>} : memref<2x25600xf32, #tpu.memory_space<vmem>>, vector<1x16xf32>,
        %parallel_loop3A_266 = vector.shape_cast %parallel_loop3A_265 : vector<1x16xf32> to vector<16xf32>
        %parallel_loop3A_267 = arith.addf %parallel_loop3A_215, %parallel_loop3A_266 : vector<16xf32>
        %parallel_loop3A_268 = arith.constant 96 : i32
        %parallel_loop3A_269 = arith.addi %parallel_loop3A_219, %parallel_loop3A_268 : i32
        %parallel_loop3A_270 = arith.constant 0 : i32
        %parallel_loop3A_271 = arith.index_cast %parallel_loop3A_270 : i32 to index
        %parallel_loop3A_272 = arith.index_cast %parallel_loop3A_269 : i32 to index
        %parallel_loop3A_273 = tpu.vector_load %arg4[%parallel_loop3A_271, %parallel_loop3A_272] {strides = array<i32>} : memref<2x25600xf32, #tpu.memory_space<vmem>>, vector<1x16xf32>,
        %parallel_loop3A_274 = vector.shape_cast %parallel_loop3A_273 : vector<1x16xf32> to vector<16xf32>
        %parallel_loop3A_275 = arith.addf %parallel_loop3A_216, %parallel_loop3A_274 : vector<16xf32>
        %parallel_loop3A_276 = arith.constant 112 : i32
        %parallel_loop3A_277 = arith.addi %parallel_loop3A_219, %parallel_loop3A_276 : i32
        %parallel_loop3A_278 = arith.constant 0 : i32
        %parallel_loop3A_279 = arith.index_cast %parallel_loop3A_278 : i32 to index
        %parallel_loop3A_280 = arith.index_cast %parallel_loop3A_277 : i32 to index
        %parallel_loop3A_281 = tpu.vector_load %arg4[%parallel_loop3A_279, %parallel_loop3A_280] {strides = array<i32>} : memref<2x25600xf32, #tpu.memory_space<vmem>>, vector<1x16xf32>,
        %parallel_loop3A_282 = vector.shape_cast %parallel_loop3A_281 : vector<1x16xf32> to vector<16xf32>
        %parallel_loop3A_283 = arith.addf %parallel_loop3A_217, %parallel_loop3A_282 : vector<16xf32>
        scf.yield %parallel_loop3A_227, %parallel_loop3A_235, %parallel_loop3A_243, %parallel_loop3A_251, %parallel_loop3A_259, %parallel_loop3A_267, %parallel_loop3A_275, %parallel_loop3A_283 : vector<16xf32>, vector<16xf32>, vector<16xf32>, vector<16xf32>, vector<16xf32>, vector<16xf32>, vector<16xf32>, vector<16xf32>
      } {sc.loop_unroll_factor = 2 : i64, sc.parallel_access}
      %swap3A = arith.constant 0 : i32
      %swap3A_71 = arith.index_cast %swap3A : i32 to index
      %swap3A_72 = arith.constant 0 : index
      %swap3A_73 = tpu.vector_load %arg5[%swap3A_71, %swap3A_72] {strides = array<i32>} : memref<1x128xf32, #tpu.memory_space<vmem>>, vector<1x16xf32>,
      %swap3A_74 = vector.shape_cast %swap3A_73 : vector<1x16xf32> to vector<16xf32>
      %swap3A_75 = vector.shape_cast %parallel_loop3A_70#0 : vector<16xf32> to vector<1x16xf32>
      tpu.vector_store %arg5[%swap3A_71, %swap3A_72], %swap3A_75 {strides = array<i32>} : memref<1x128xf32, #tpu.memory_space<vmem>>, vector<1x16xf32>,
      %swap3A_76 = arith.constant 0 : i32
      %swap3A_77 = arith.index_cast %swap3A_76 : i32 to index
      %swap3A_78 = arith.constant 16 : index
      %swap3A_79 = tpu.vector_load %arg5[%swap3A_77, %swap3A_78] {strides = array<i32>} : memref<1x128xf32, #tpu.memory_space<vmem>>, vector<1x16xf32>,
      %swap3A_80 = vector.shape_cast %swap3A_79 : vector<1x16xf32> to vector<16xf32>
      %swap3A_81 = vector.shape_cast %parallel_loop3A_70#1 : vector<16xf32> to vector<1x16xf32>
      tpu.vector_store %arg5[%swap3A_77, %swap3A_78], %swap3A_81 {strides = array<i32>} : memref<1x128xf32, #tpu.memory_space<vmem>>, vector<1x16xf32>,
      %swap3A_82 = arith.constant 0 : i32
      %swap3A_83 = arith.index_cast %swap3A_82 : i32 to index
      %swap3A_84 = arith.constant 32 : index
      %swap3A_85 = tpu.vector_load %arg5[%swap3A_83, %swap3A_84] {strides = array<i32>} : memref<1x128xf32, #tpu.memory_space<vmem>>, vector<1x16xf32>,
      %swap3A_86 = vector.shape_cast %swap3A_85 : vector<1x16xf32> to vector<16xf32>
      %swap3A_87 = vector.shape_cast %parallel_loop3A_70#2 : vector<16xf32> to vector<1x16xf32>
      tpu.vector_store %arg5[%swap3A_83, %swap3A_84], %swap3A_87 {strides = array<i32>} : memref<1x128xf32, #tpu.memory_space<vmem>>, vector<1x16xf32>,
      %swap3A_88 = arith.constant 0 : i32
      %swap3A_89 = arith.index_cast %swap3A_88 : i32 to index
      %swap3A_90 = arith.constant 48 : index
      %swap3A_91 = tpu.vector_load %arg5[%swap3A_89, %swap3A_90] {strides = array<i32>} : memref<1x128xf32, #tpu.memory_space<vmem>>, vector<1x16xf32>,
      %swap3A_92 = vector.shape_cast %swap3A_91 : vector<1x16xf32> to vector<16xf32>
      %swap3A_93 = vector.shape_cast %parallel_loop3A_70#3 : vector<16xf32> to vector<1x16xf32>
      tpu.vector_store %arg5[%swap3A_89, %swap3A_90], %swap3A_93 {strides = array<i32>} : memref<1x128xf32, #tpu.memory_space<vmem>>, vector<1x16xf32>,
      %swap3A_94 = arith.constant 0 : i32
      %swap3A_95 = arith.index_cast %swap3A_94 : i32 to index
      %swap3A_96 = arith.constant 64 : index
      %swap3A_97 = tpu.vector_load %arg5[%swap3A_95, %swap3A_96] {strides = array<i32>} : memref<1x128xf32, #tpu.memory_space<vmem>>, vector<1x16xf32>,
      %swap3A_98 = vector.shape_cast %swap3A_97 : vector<1x16xf32> to vector<16xf32>
      %swap3A_99 = vector.shape_cast %parallel_loop3A_70#4 : vector<16xf32> to vector<1x16xf32>
      tpu.vector_store %arg5[%swap3A_95, %swap3A_96], %swap3A_99 {strides = array<i32>} : memref<1x128xf32, #tpu.memory_space<vmem>>, vector<1x16xf32>,
      %swap3A_100 = arith.constant 0 : i32
      %swap3A_101 = arith.index_cast %swap3A_100 : i32 to index
      %swap3A_102 = arith.constant 80 : index
      %swap3A_103 = tpu.vector_load %arg5[%swap3A_101, %swap3A_102] {strides = array<i32>} : memref<1x128xf32, #tpu.memory_space<vmem>>, vector<1x16xf32>,
      %swap3A_104 = vector.shape_cast %swap3A_103 : vector<1x16xf32> to vector<16xf32>
      %swap3A_105 = vector.shape_cast %parallel_loop3A_70#5 : vector<16xf32> to vector<1x16xf32>
      tpu.vector_store %arg5[%swap3A_101, %swap3A_102], %swap3A_105 {strides = array<i32>} : memref<1x128xf32, #tpu.memory_space<vmem>>, vector<1x16xf32>,
      %swap3A_106 = arith.constant 0 : i32
      %swap3A_107 = arith.index_cast %swap3A_106 : i32 to index
      %swap3A_108 = arith.constant 96 : index
      %swap3A_109 = tpu.vector_load %arg5[%swap3A_107, %swap3A_108] {strides = array<i32>} : memref<1x128xf32, #tpu.memory_space<vmem>>, vector<1x16xf32>,
      %swap3A_110 = vector.shape_cast %swap3A_109 : vector<1x16xf32> to vector<16xf32>
      %swap3A_111 = vector.shape_cast %parallel_loop3A_70#6 : vector<16xf32> to vector<1x16xf32>
      tpu.vector_store %arg5[%swap3A_107, %swap3A_108], %swap3A_111 {strides = array<i32>} : memref<1x128xf32, #tpu.memory_space<vmem>>, vector<1x16xf32>,
      %swap3A_112 = arith.constant 0 : i32
      %swap3A_113 = arith.index_cast %swap3A_112 : i32 to index
      %swap3A_114 = arith.constant 112 : index
      %swap3A_115 = tpu.vector_load %arg5[%swap3A_113, %swap3A_114] {strides = array<i32>} : memref<1x128xf32, #tpu.memory_space<vmem>>, vector<1x16xf32>,
      %swap3A_116 = vector.shape_cast %swap3A_115 : vector<1x16xf32> to vector<16xf32>
      %swap3A_117 = vector.shape_cast %parallel_loop3A_70#7 : vector<16xf32> to vector<1x16xf32>
      tpu.vector_store %arg5[%swap3A_113, %swap3A_114], %swap3A_117 {strides = array<i32>} : memref<1x128xf32, #tpu.memory_space<vmem>>, vector<1x16xf32>,
      "tpu.region"() ({
        %run_scoped3A = tpu.sem_alloc : memref<!tpu.dma_semaphore, #tpu.memory_space<semaphore_mem>>
        %dma_start3A_209 = arith.constant 0 : i32
        %dma_start3A_210 = tpu.memref_slice %arg3[%add3A_39, %dma_start3A_209] : memref<192x128xf32, #tpu.memory_space<hbm>> -> memref<1x128xf32, #tpu.memory_space<hbm>>
        %dma_start3A_211 = arith.constant 0 : i32
        %dma_start3A_212 = tpu.memref_slice %arg3[%add3A_39, %dma_start3A_211] : memref<192x128xf32, #tpu.memory_space<hbm>> -> memref<1x128xf32, #tpu.memory_space<hbm>>
        tpu.enqueue_dma source(%arg5 : memref<1x128xf32, #tpu.memory_space<vmem>>) target(%dma_start3A_212 : memref<1x128xf32, #tpu.memory_space<hbm>>) target_semaphore(%run_scoped3A : memref<!tpu.dma_semaphore, #tpu.memory_space<semaphore_mem>>)
        %dma_wait3A_213 = arith.constant 0 : i32
        %dma_wait3A_214 = tpu.memref_slice %arg3[%add3A_39, %dma_wait3A_213] : memref<192x128xf32, #tpu.memory_space<hbm>> -> memref<1x128xf32, #tpu.memory_space<hbm>>
        %dma_wait3A_215 = arith.constant 0 : i32
        %dma_wait3A_216 = tpu.memref_slice %arg3[%add3A_39, %dma_wait3A_215] : memref<192x128xf32, #tpu.memory_space<hbm>> -> memref<1x128xf32, #tpu.memory_space<hbm>>
        tpu.wait_dma2 semaphore(%run_scoped3A : memref<!tpu.dma_semaphore, #tpu.memory_space<semaphore_mem>>) src(%arg5 : memref<1x128xf32, #tpu.memory_space<vmem>>) dst(%dma_wait3A_216 : memref<1x128xf32, #tpu.memory_space<hbm>>)
        tpu.yield
      }) : () -> ()
      %add3A_118 = arith.constant 2 : i32
      %add3A_119 = arith.addi %mul3A_20, %add3A_118 : i32
      %lt3A = arith.constant 6 : i32
      %lt3A_120 = arith.cmpi slt, %add3A_119, %lt3A : i32
      %convert_element_type3A = arith.extui %lt3A_120 : i1 to i32
      %cond3A = arith.constant 0 : i32
      %cond3A_121 = arith.cmpi ne, %convert_element_type3A, %cond3A : i32
      scf.if %cond3A_121 {
        %add3A_209 = arith.constant 2 : i32
        %add3A_210 = arith.addi %mul3A_20, %add3A_209 : i32
        %mul3A_211 = arith.constant 32 : i32
        %mul3A_212 = arith.muli %add3A_210, %mul3A_211 : i32
        %add3A_213 = arith.addi %add3A, %mul3A_212 : i32
        %mul3A_214 = arith.constant 25600 : i32
        %mul3A_215 = arith.muli %add3A_213, %mul3A_214 : i32
        %dma_start3A_216 = arith.constant 0 : i32
        %dma_start3A_217 = arith.constant 0 : i32
        %dma_start3A_218 = tpu.memref_slice %arg4[%dma_start3A_216, %dma_start3A_217] : memref<2x25600xf32, #tpu.memory_space<vmem>> -> memref<1x25600xf32, #tpu.memory_space<vmem>>
        %dma_start3A_219 = tpu.memref_squeeze %dma_start3A_218 : memref<1x25600xf32, #tpu.memory_space<vmem>> -> memref<25600xf32, #tpu.memory_space<vmem>>
        %dma_start3A_220 = tpu.memref_slice %arg2[%mul3A_215] : memref<12800000xf32, #tpu.memory_space<hbm>> -> memref<25600xf32, #tpu.memory_space<hbm>>
        %dma_start3A_221 = arith.constant 0 : i32
        %dma_start3A_222 = tpu.memref_slice %arg4[%dma_start3A_216, %dma_start3A_221] : memref<2x25600xf32, #tpu.memory_space<vmem>> -> memref<1x25600xf32, #tpu.memory_space<vmem>>
        %dma_start3A_223 = tpu.memref_squeeze %dma_start3A_222 : memref<1x25600xf32, #tpu.memory_space<vmem>> -> memref<25600xf32, #tpu.memory_space<vmem>>
        %dma_start3A_224 = tpu.memref_slice %arg2[%mul3A_215] : memref<12800000xf32, #tpu.memory_space<hbm>> -> memref<25600xf32, #tpu.memory_space<hbm>>
        tpu.enqueue_dma source(%dma_start3A_224 : memref<25600xf32, #tpu.memory_space<hbm>>) target(%dma_start3A_223 : memref<25600xf32, #tpu.memory_space<vmem>>) target_semaphore(%arg6 : memref<!tpu.dma_semaphore, #tpu.memory_space<semaphore_mem>>)
      } else {
      }
      %add3A_122 = arith.constant 1 : i32
      %add3A_123 = arith.addi %mul3A_20, %add3A_122 : i32
      %mul3A_124 = arith.constant 32 : i32
      %mul3A_125 = arith.muli %add3A_123, %mul3A_124 : i32
      %add3A_126 = arith.addi %add3A, %mul3A_125 : i32
      %mul3A_127 = arith.constant 32 : i32
      %mul3A_128 = arith.muli %add3A_123, %mul3A_127 : i32
      %add3A_129 = arith.addi %add3A, %mul3A_128 : i32
      %mul3A_130 = arith.constant 25600 : i32
      %mul3A_131 = arith.muli %add3A_129, %mul3A_130 : i32
      %dma_wait3A_132 = arith.constant 1 : i32
      %dma_wait3A_133 = arith.constant 0 : i32
      %dma_wait3A_134 = tpu.memref_slice %arg4[%dma_wait3A_132, %dma_wait3A_133] : memref<2x25600xf32, #tpu.memory_space<vmem>> -> memref<1x25600xf32, #tpu.memory_space<vmem>>
      %dma_wait3A_135 = tpu.memref_squeeze %dma_wait3A_134 : memref<1x25600xf32, #tpu.memory_space<vmem>> -> memref<25600xf32, #tpu.memory_space<vmem>>
      %dma_wait3A_136 = tpu.memref_slice %arg2[%mul3A_131] : memref<12800000xf32, #tpu.memory_space<hbm>> -> memref<25600xf32, #tpu.memory_space<hbm>>
      %dma_wait3A_137 = arith.constant 0 : i32
      %dma_wait3A_138 = tpu.memref_slice %arg4[%dma_wait3A_132, %dma_wait3A_137] : memref<2x25600xf32, #tpu.memory_space<vmem>> -> memref<1x25600xf32, #tpu.memory_space<vmem>>
      %dma_wait3A_139 = tpu.memref_squeeze %dma_wait3A_138 : memref<1x25600xf32, #tpu.memory_space<vmem>> -> memref<25600xf32, #tpu.memory_space<vmem>>
      %dma_wait3A_140 = tpu.memref_slice %arg2[%mul3A_131] : memref<12800000xf32, #tpu.memory_space<hbm>> -> memref<25600xf32, #tpu.memory_space<hbm>>
      tpu.wait_dma2 semaphore(%arg7 : memref<!tpu.dma_semaphore, #tpu.memory_space<semaphore_mem>>) src(%dma_wait3A_140 : memref<25600xf32, #tpu.memory_space<hbm>>) dst(%dma_wait3A_139 : memref<25600xf32, #tpu.memory_space<vmem>>)
      %broadcast_in_dim3A_141 = arith.constant 0.000000e+00 : f32
      %broadcast_in_dim3A_142 = vector.broadcast %broadcast_in_dim3A_141 : f32 to vector<16xf32>
      %broadcast_in_dim3A_143 = arith.constant 0.000000e+00 : f32
      %broadcast_in_dim3A_144 = vector.broadcast %broadcast_in_dim3A_143 : f32 to vector<16xf32>
      %broadcast_in_dim3A_145 = arith.constant 0.000000e+00 : f32
      %broadcast_in_dim3A_146 = vector.broadcast %broadcast_in_dim3A_145 : f32 to vector<16xf32>
      %broadcast_in_dim3A_147 = arith.constant 0.000000e+00 : f32
      %broadcast_in_dim3A_148 = vector.broadcast %broadcast_in_dim3A_147 : f32 to vector<16xf32>
      %broadcast_in_dim3A_149 = arith.constant 0.000000e+00 : f32
      %broadcast_in_dim3A_150 = vector.broadcast %broadcast_in_dim3A_149 : f32 to vector<16xf32>
      %broadcast_in_dim3A_151 = arith.constant 0.000000e+00 : f32
      %broadcast_in_dim3A_152 = vector.broadcast %broadcast_in_dim3A_151 : f32 to vector<16xf32>
      %broadcast_in_dim3A_153 = arith.constant 0.000000e+00 : f32
      %broadcast_in_dim3A_154 = vector.broadcast %broadcast_in_dim3A_153 : f32 to vector<16xf32>
      %broadcast_in_dim3A_155 = arith.constant 0.000000e+00 : f32
      %broadcast_in_dim3A_156 = vector.broadcast %broadcast_in_dim3A_155 : f32 to vector<16xf32>
      %parallel_loop3A_157 = arith.constant 0 : i32
      %parallel_loop3A_158 = arith.constant 200 : i32
      %parallel_loop3A_159 = arith.constant 1 : i32
      %parallel_loop3A_160:8 = scf.for %parallel_loop3A_209 = %parallel_loop3A_157 to %parallel_loop3A_158 step %parallel_loop3A_159 iter_args(%parallel_loop3A_210 = %broadcast_in_dim3A_142, %parallel_loop3A_211 = %broadcast_in_dim3A_144, %parallel_loop3A_212 = %broadcast_in_dim3A_146, %parallel_loop3A_213 = %broadcast_in_dim3A_148, %parallel_loop3A_214 = %broadcast_in_dim3A_150, %parallel_loop3A_215 = %broadcast_in_dim3A_152, %parallel_loop3A_216 = %broadcast_in_dim3A_154, %parallel_loop3A_217 = %broadcast_in_dim3A_156) -> (vector<16xf32>, vector<16xf32>, vector<16xf32>, vector<16xf32>, vector<16xf32>, vector<16xf32>, vector<16xf32>, vector<16xf32>)  : i32 {
        %parallel_loop3A_218 = arith.constant 128 : i32
        %parallel_loop3A_219 = arith.muli %parallel_loop3A_209, %parallel_loop3A_218 : i32
        %parallel_loop3A_220 = arith.constant 0 : i32
        %parallel_loop3A_221 = arith.addi %parallel_loop3A_219, %parallel_loop3A_220 : i32
        %parallel_loop3A_222 = arith.constant 1 : i32
        %parallel_loop3A_223 = arith.index_cast %parallel_loop3A_222 : i32 to index
        %parallel_loop3A_224 = arith.index_cast %parallel_loop3A_221 : i32 to index
        %parallel_loop3A_225 = tpu.vector_load %arg4[%parallel_loop3A_223, %parallel_loop3A_224] {strides = array<i32>} : memref<2x25600xf32, #tpu.memory_space<vmem>>, vector<1x16xf32>,
        %parallel_loop3A_226 = vector.shape_cast %parallel_loop3A_225 : vector<1x16xf32> to vector<16xf32>
        %parallel_loop3A_227 = arith.addf %parallel_loop3A_210, %parallel_loop3A_226 : vector<16xf32>
        %parallel_loop3A_228 = arith.constant 16 : i32
        %parallel_loop3A_229 = arith.addi %parallel_loop3A_219, %parallel_loop3A_228 : i32
        %parallel_loop3A_230 = arith.constant 1 : i32
        %parallel_loop3A_231 = arith.index_cast %parallel_loop3A_230 : i32 to index
        %parallel_loop3A_232 = arith.index_cast %parallel_loop3A_229 : i32 to index
        %parallel_loop3A_233 = tpu.vector_load %arg4[%parallel_loop3A_231, %parallel_loop3A_232] {strides = array<i32>} : memref<2x25600xf32, #tpu.memory_space<vmem>>, vector<1x16xf32>,
        %parallel_loop3A_234 = vector.shape_cast %parallel_loop3A_233 : vector<1x16xf32> to vector<16xf32>
        %parallel_loop3A_235 = arith.addf %parallel_loop3A_211, %parallel_loop3A_234 : vector<16xf32>
        %parallel_loop3A_236 = arith.constant 32 : i32
        %parallel_loop3A_237 = arith.addi %parallel_loop3A_219, %parallel_loop3A_236 : i32
        %parallel_loop3A_238 = arith.constant 1 : i32
        %parallel_loop3A_239 = arith.index_cast %parallel_loop3A_238 : i32 to index
        %parallel_loop3A_240 = arith.index_cast %parallel_loop3A_237 : i32 to index
        %parallel_loop3A_241 = tpu.vector_load %arg4[%parallel_loop3A_239, %parallel_loop3A_240] {strides = array<i32>} : memref<2x25600xf32, #tpu.memory_space<vmem>>, vector<1x16xf32>,
        %parallel_loop3A_242 = vector.shape_cast %parallel_loop3A_241 : vector<1x16xf32> to vector<16xf32>
        %parallel_loop3A_243 = arith.addf %parallel_loop3A_212, %parallel_loop3A_242 : vector<16xf32>
        %parallel_loop3A_244 = arith.constant 48 : i32
        %parallel_loop3A_245 = arith.addi %parallel_loop3A_219, %parallel_loop3A_244 : i32
        %parallel_loop3A_246 = arith.constant 1 : i32
        %parallel_loop3A_247 = arith.index_cast %parallel_loop3A_246 : i32 to index
        %parallel_loop3A_248 = arith.index_cast %parallel_loop3A_245 : i32 to index
        %parallel_loop3A_249 = tpu.vector_load %arg4[%parallel_loop3A_247, %parallel_loop3A_248] {strides = array<i32>} : memref<2x25600xf32, #tpu.memory_space<vmem>>, vector<1x16xf32>,
        %parallel_loop3A_250 = vector.shape_cast %parallel_loop3A_249 : vector<1x16xf32> to vector<16xf32>
        %parallel_loop3A_251 = arith.addf %parallel_loop3A_213, %parallel_loop3A_250 : vector<16xf32>
        %parallel_loop3A_252 = arith.constant 64 : i32
        %parallel_loop3A_253 = arith.addi %parallel_loop3A_219, %parallel_loop3A_252 : i32
        %parallel_loop3A_254 = arith.constant 1 : i32
        %parallel_loop3A_255 = arith.index_cast %parallel_loop3A_254 : i32 to index
        %parallel_loop3A_256 = arith.index_cast %parallel_loop3A_253 : i32 to index
        %parallel_loop3A_257 = tpu.vector_load %arg4[%parallel_loop3A_255, %parallel_loop3A_256] {strides = array<i32>} : memref<2x25600xf32, #tpu.memory_space<vmem>>, vector<1x16xf32>,
        %parallel_loop3A_258 = vector.shape_cast %parallel_loop3A_257 : vector<1x16xf32> to vector<16xf32>
        %parallel_loop3A_259 = arith.addf %parallel_loop3A_214, %parallel_loop3A_258 : vector<16xf32>
        %parallel_loop3A_260 = arith.constant 80 : i32
        %parallel_loop3A_261 = arith.addi %parallel_loop3A_219, %parallel_loop3A_260 : i32
        %parallel_loop3A_262 = arith.constant 1 : i32
        %parallel_loop3A_263 = arith.index_cast %parallel_loop3A_262 : i32 to index
        %parallel_loop3A_264 = arith.index_cast %parallel_loop3A_261 : i32 to index
        %parallel_loop3A_265 = tpu.vector_load %arg4[%parallel_loop3A_263, %parallel_loop3A_264] {strides = array<i32>} : memref<2x25600xf32, #tpu.memory_space<vmem>>, vector<1x16xf32>,
        %parallel_loop3A_266 = vector.shape_cast %parallel_loop3A_265 : vector<1x16xf32> to vector<16xf32>
        %parallel_loop3A_267 = arith.addf %parallel_loop3A_215, %parallel_loop3A_266 : vector<16xf32>
        %parallel_loop3A_268 = arith.constant 96 : i32
        %parallel_loop3A_269 = arith.addi %parallel_loop3A_219, %parallel_loop3A_268 : i32
        %parallel_loop3A_270 = arith.constant 1 : i32
        %parallel_loop3A_271 = arith.index_cast %parallel_loop3A_270 : i32 to index
        %parallel_loop3A_272 = arith.index_cast %parallel_loop3A_269 : i32 to index
        %parallel_loop3A_273 = tpu.vector_load %arg4[%parallel_loop3A_271, %parallel_loop3A_272] {strides = array<i32>} : memref<2x25600xf32, #tpu.memory_space<vmem>>, vector<1x16xf32>,
        %parallel_loop3A_274 = vector.shape_cast %parallel_loop3A_273 : vector<1x16xf32> to vector<16xf32>
        %parallel_loop3A_275 = arith.addf %parallel_loop3A_216, %parallel_loop3A_274 : vector<16xf32>
        %parallel_loop3A_276 = arith.constant 112 : i32
        %parallel_loop3A_277 = arith.addi %parallel_loop3A_219, %parallel_loop3A_276 : i32
        %parallel_loop3A_278 = arith.constant 1 : i32
        %parallel_loop3A_279 = arith.index_cast %parallel_loop3A_278 : i32 to index
        %parallel_loop3A_280 = arith.index_cast %parallel_loop3A_277 : i32 to index
        %parallel_loop3A_281 = tpu.vector_load %arg4[%parallel_loop3A_279, %parallel_loop3A_280] {strides = array<i32>} : memref<2x25600xf32, #tpu.memory_space<vmem>>, vector<1x16xf32>,
        %parallel_loop3A_282 = vector.shape_cast %parallel_loop3A_281 : vector<1x16xf32> to vector<16xf32>
        %parallel_loop3A_283 = arith.addf %parallel_loop3A_217, %parallel_loop3A_282 : vector<16xf32>
        scf.yield %parallel_loop3A_227, %parallel_loop3A_235, %parallel_loop3A_243, %parallel_loop3A_251, %parallel_loop3A_259, %parallel_loop3A_267, %parallel_loop3A_275, %parallel_loop3A_283 : vector<16xf32>, vector<16xf32>, vector<16xf32>, vector<16xf32>, vector<16xf32>, vector<16xf32>, vector<16xf32>, vector<16xf32>
      } {sc.loop_unroll_factor = 2 : i64, sc.parallel_access}
      %swap3A_161 = arith.constant 0 : i32
      %swap3A_162 = arith.index_cast %swap3A_161 : i32 to index
      %swap3A_163 = arith.constant 0 : index
      %swap3A_164 = tpu.vector_load %arg5[%swap3A_162, %swap3A_163] {strides = array<i32>} : memref<1x128xf32, #tpu.memory_space<vmem>>, vector<1x16xf32>,
      %swap3A_165 = vector.shape_cast %swap3A_164 : vector<1x16xf32> to vector<16xf32>
      %swap3A_166 = vector.shape_cast %parallel_loop3A_160#0 : vector<16xf32> to vector<1x16xf32>
      tpu.vector_store %arg5[%swap3A_162, %swap3A_163], %swap3A_166 {strides = array<i32>} : memref<1x128xf32, #tpu.memory_space<vmem>>, vector<1x16xf32>,
      %swap3A_167 = arith.constant 0 : i32
      %swap3A_168 = arith.index_cast %swap3A_167 : i32 to index
      %swap3A_169 = arith.constant 16 : index
      %swap3A_170 = tpu.vector_load %arg5[%swap3A_168, %swap3A_169] {strides = array<i32>} : memref<1x128xf32, #tpu.memory_space<vmem>>, vector<1x16xf32>,
      %swap3A_171 = vector.shape_cast %swap3A_170 : vector<1x16xf32> to vector<16xf32>
      %swap3A_172 = vector.shape_cast %parallel_loop3A_160#1 : vector<16xf32> to vector<1x16xf32>
      tpu.vector_store %arg5[%swap3A_168, %swap3A_169], %swap3A_172 {strides = array<i32>} : memref<1x128xf32, #tpu.memory_space<vmem>>, vector<1x16xf32>,
      %swap3A_173 = arith.constant 0 : i32
      %swap3A_174 = arith.index_cast %swap3A_173 : i32 to index
      %swap3A_175 = arith.constant 32 : index
      %swap3A_176 = tpu.vector_load %arg5[%swap3A_174, %swap3A_175] {strides = array<i32>} : memref<1x128xf32, #tpu.memory_space<vmem>>, vector<1x16xf32>,
      %swap3A_177 = vector.shape_cast %swap3A_176 : vector<1x16xf32> to vector<16xf32>
      %swap3A_178 = vector.shape_cast %parallel_loop3A_160#2 : vector<16xf32> to vector<1x16xf32>
      tpu.vector_store %arg5[%swap3A_174, %swap3A_175], %swap3A_178 {strides = array<i32>} : memref<1x128xf32, #tpu.memory_space<vmem>>, vector<1x16xf32>,
      %swap3A_179 = arith.constant 0 : i32
      %swap3A_180 = arith.index_cast %swap3A_179 : i32 to index
      %swap3A_181 = arith.constant 48 : index
      %swap3A_182 = tpu.vector_load %arg5[%swap3A_180, %swap3A_181] {strides = array<i32>} : memref<1x128xf32, #tpu.memory_space<vmem>>, vector<1x16xf32>,
      %swap3A_183 = vector.shape_cast %swap3A_182 : vector<1x16xf32> to vector<16xf32>
      %swap3A_184 = vector.shape_cast %parallel_loop3A_160#3 : vector<16xf32> to vector<1x16xf32>
      tpu.vector_store %arg5[%swap3A_180, %swap3A_181], %swap3A_184 {strides = array<i32>} : memref<1x128xf32, #tpu.memory_space<vmem>>, vector<1x16xf32>,
      %swap3A_185 = arith.constant 0 : i32
      %swap3A_186 = arith.index_cast %swap3A_185 : i32 to index
      %swap3A_187 = arith.constant 64 : index
      %swap3A_188 = tpu.vector_load %arg5[%swap3A_186, %swap3A_187] {strides = array<i32>} : memref<1x128xf32, #tpu.memory_space<vmem>>, vector<1x16xf32>,
      %swap3A_189 = vector.shape_cast %swap3A_188 : vector<1x16xf32> to vector<16xf32>
      %swap3A_190 = vector.shape_cast %parallel_loop3A_160#4 : vector<16xf32> to vector<1x16xf32>
      tpu.vector_store %arg5[%swap3A_186, %swap3A_187], %swap3A_190 {strides = array<i32>} : memref<1x128xf32, #tpu.memory_space<vmem>>, vector<1x16xf32>,
      %swap3A_191 = arith.constant 0 : i32
      %swap3A_192 = arith.index_cast %swap3A_191 : i32 to index
      %swap3A_193 = arith.constant 80 : index
      %swap3A_194 = tpu.vector_load %arg5[%swap3A_192, %swap3A_193] {strides = array<i32>} : memref<1x128xf32, #tpu.memory_space<vmem>>, vector<1x16xf32>,
      %swap3A_195 = vector.shape_cast %swap3A_194 : vector<1x16xf32> to vector<16xf32>
      %swap3A_196 = vector.shape_cast %parallel_loop3A_160#5 : vector<16xf32> to vector<1x16xf32>
      tpu.vector_store %arg5[%swap3A_192, %swap3A_193], %swap3A_196 {strides = array<i32>} : memref<1x128xf32, #tpu.memory_space<vmem>>, vector<1x16xf32>,
      %swap3A_197 = arith.constant 0 : i32
      %swap3A_198 = arith.index_cast %swap3A_197 : i32 to index
      %swap3A_199 = arith.constant 96 : index
      %swap3A_200 = tpu.vector_load %arg5[%swap3A_198, %swap3A_199] {strides = array<i32>} : memref<1x128xf32, #tpu.memory_space<vmem>>, vector<1x16xf32>,
      %swap3A_201 = vector.shape_cast %swap3A_200 : vector<1x16xf32> to vector<16xf32>
      %swap3A_202 = vector.shape_cast %parallel_loop3A_160#6 : vector<16xf32> to vector<1x16xf32>
      tpu.vector_store %arg5[%swap3A_198, %swap3A_199], %swap3A_202 {strides = array<i32>} : memref<1x128xf32, #tpu.memory_space<vmem>>, vector<1x16xf32>,
      %swap3A_203 = arith.constant 0 : i32
      %swap3A_204 = arith.index_cast %swap3A_203 : i32 to index
      %swap3A_205 = arith.constant 112 : index
      %swap3A_206 = tpu.vector_load %arg5[%swap3A_204, %swap3A_205] {strides = array<i32>} : memref<1x128xf32, #tpu.memory_space<vmem>>, vector<1x16xf32>,
      %swap3A_207 = vector.shape_cast %swap3A_206 : vector<1x16xf32> to vector<16xf32>
      %swap3A_208 = vector.shape_cast %parallel_loop3A_160#7 : vector<16xf32> to vector<1x16xf32>
      tpu.vector_store %arg5[%swap3A_204, %swap3A_205], %swap3A_208 {strides = array<i32>} : memref<1x128xf32, #tpu.memory_space<vmem>>, vector<1x16xf32>,
      "tpu.region"() ({
        %run_scoped3A = tpu.sem_alloc : memref<!tpu.dma_semaphore, #tpu.memory_space<semaphore_mem>>
        %dma_start3A_209 = arith.constant 0 : i32
        %dma_start3A_210 = tpu.memref_slice %arg3[%add3A_126, %dma_start3A_209] : memref<192x128xf32, #tpu.memory_space<hbm>> -> memref<1x128xf32, #tpu.memory_space<hbm>>
        %dma_start3A_211 = arith.constant 0 : i32
        %dma_start3A_212 = tpu.memref_slice %arg3[%add3A_126, %dma_start3A_211] : memref<192x128xf32, #tpu.memory_space<hbm>> -> memref<1x128xf32, #tpu.memory_space<hbm>>
        tpu.enqueue_dma source(%arg5 : memref<1x128xf32, #tpu.memory_space<vmem>>) target(%dma_start3A_212 : memref<1x128xf32, #tpu.memory_space<hbm>>) target_semaphore(%run_scoped3A : memref<!tpu.dma_semaphore, #tpu.memory_space<semaphore_mem>>)
        %dma_wait3A_213 = arith.constant 0 : i32
        %dma_wait3A_214 = tpu.memref_slice %arg3[%add3A_126, %dma_wait3A_213] : memref<192x128xf32, #tpu.memory_space<hbm>> -> memref<1x128xf32, #tpu.memory_space<hbm>>
        %dma_wait3A_215 = arith.constant 0 : i32
        %dma_wait3A_216 = tpu.memref_slice %arg3[%add3A_126, %dma_wait3A_215] : memref<192x128xf32, #tpu.memory_space<hbm>> -> memref<1x128xf32, #tpu.memory_space<hbm>>
        tpu.wait_dma2 semaphore(%run_scoped3A : memref<!tpu.dma_semaphore, #tpu.memory_space<semaphore_mem>>) src(%arg5 : memref<1x128xf32, #tpu.memory_space<vmem>>) dst(%dma_wait3A_216 : memref<1x128xf32, #tpu.memory_space<hbm>>)
        tpu.yield
      }) : () -> ()
    }
    %scan3A_17 = arith.constant 3 : i32
    return
  }
}

module attributes {stable_mosaic.version = 14 : i64} {
  func.func @_tc_pool_kernel(%arg0: i32, %arg1: memref<48x200x128xf32, #tpu.memory_space<vmem>>, %arg2: memref<48x128xf32, #tpu.memory_space<vmem>>) attributes {dimension_semantics = [#tpu.dimension_semantics<arbitrary>], iteration_bounds = array<i64: 7>, scalar_prefetch = 0 : i64, scratch_operands = 0 : i64, tpu.core_type = #tpu.core_type<tc>, window_params = [{transform_indices = @transform_0, window_bounds = array<i64: 48, 200, 128>}, {transform_indices = @transform_1, window_bounds = array<i64: 48, 128>}]} {
    %get3A = arith.constant 0 : index
    %get3A_0 = arith.constant 0 : index
    %get3A_1 = arith.constant 0 : index
    %get3A_2 = vector.load %arg1[%get3A, %get3A_0, %get3A_1] : memref<48x200x128xf32, #tpu.memory_space<vmem>>, vector<48x200x128xf32>
    %reduce_sum3A = arith.constant dense<0.000000e+00> : vector<48x128xf32>
    %reduce_sum3A_3 = vector.multi_reduction <add>, %get3A_2, %reduce_sum3A [1] : vector<48x200x128xf32> to vector<48x128xf32>
    %swap3A = arith.constant 0 : index
    %swap3A_4 = arith.constant 0 : index
    %swap3A_5 = vector.load %arg2[%swap3A, %swap3A_4] : memref<48x128xf32, #tpu.memory_space<vmem>>, vector<48x128xf32>
    tpu.vector_store %arg2[%swap3A, %swap3A_4], %reduce_sum3A_3 {strides = array<i32>} : memref<48x128xf32, #tpu.memory_space<vmem>>, vector<48x128xf32>,
    return
  }
  func.func @transform_0(%arg0: i32) -> (i32, i32, i32) {
    %add3A = arith.constant 4 : i32
    %add3A_0 = arith.addi %add3A, %arg0 : i32
    %c0_i32 = arith.constant 0 : i32
    %c0_i32_1 = arith.constant 0 : i32
    %c0_i32_2 = arith.constant 0 : i32
    return %add3A_0, %c0_i32, %c0_i32_1 : i32, i32, i32
  }
  func.func @transform_1(%arg0: i32) -> (i32, i32) {
    %c0_i32 = arith.constant 0 : i32
    %c0_i32_0 = arith.constant 0 : i32
    return %arg0, %c0_i32 : i32, i32
  }
}

module attributes {stable_mosaic.version = 14 : i64} {
  func.func @_mlp_kernel(%arg0: memref<192x128xf32, #tpu.memory_space<vmem>>, %arg1: memref<308x128xf32, #tpu.memory_space<vmem>>, %arg2: memref<500x1xi32, #tpu.memory_space<vmem>>, %arg3: memref<128x256xf32, #tpu.memory_space<vmem>>, %arg4: memref<256xf32, #tpu.memory_space<vmem>>, %arg5: memref<256x256xf32, #tpu.memory_space<vmem>>, %arg6: memref<256xf32, #tpu.memory_space<vmem>>, %arg7: memref<256x1xf32, #tpu.memory_space<vmem>>, %arg8: memref<1xf32, #tpu.memory_space<vmem>>, %arg9: memref<500x1xf32, #tpu.memory_space<vmem>>) attributes {dimension_semantics = [], scalar_prefetch = 0 : i64, scratch_operands = 0 : i64, tpu.core_type = #tpu.core_type<tc>} {
    %get3A = arith.constant 0 : index
    %get3A_0 = arith.constant 0 : index
    %get3A_1 = vector.load %arg2[%get3A, %get3A_0] : memref<500x1xi32, #tpu.memory_space<vmem>>, vector<500x1xi32>
    %convert_element_type3A = arith.sitofp %get3A_1 : vector<500x1xi32> to vector<500x1xf32>
    %get3A_2 = arith.constant 0 : index
    %get3A_3 = arith.constant 0 : index
    %get3A_4 = vector.load %arg0[%get3A_2, %get3A_3] : memref<192x128xf32, #tpu.memory_space<vmem>>, vector<192x128xf32>
    %slice3A = vector.extract_strided_slice %convert_element_type3A {offsets = [0, 0], sizes = [192, 1], strides = [1, 1]} : vector<500x1xf32> to vector<192x1xf32>
    %div3A = vector.broadcast %slice3A : vector<192x1xf32> to vector<192x128xf32>
    %div3A_5 = arith.divf %get3A_4, %div3A : vector<192x128xf32>
    %get3A_6 = arith.constant 0 : index
    %get3A_7 = arith.constant 0 : index
    %get3A_8 = vector.load %arg3[%get3A_6, %get3A_7] : memref<128x256xf32, #tpu.memory_space<vmem>>, vector<128x256xf32>
    %dot_general3A = arith.constant dense<0.000000e+00> : vector<192x256xf32>
    %dot_general3A_9 = tpu.matmul %div3A_5, %get3A_8, %dot_general3A {dimension_numbers = #tpu.dot_dimension_numbers<[1], [0], [0], [1], [0, 0, 1, 1], [], []>, transpose_lhs_hint = false} : vector<192x128xf32>, vector<128x256xf32>, vector<192x256xf32> -> vector<192x256xf32>
    %get3A_10 = arith.constant 0 : index
    %get3A_11 = vector.load %arg4[%get3A_10] : memref<256xf32, #tpu.memory_space<vmem>>, vector<256xf32>
    %broadcast_in_dim3A = vector.shape_cast %get3A_11 : vector<256xf32> to vector<1x256xf32>
    %add3A = vector.broadcast %broadcast_in_dim3A : vector<1x256xf32> to vector<192x256xf32>
    %add3A_12 = arith.addf %dot_general3A_9, %add3A : vector<192x256xf32>
    %max3A = arith.constant 0.000000e+00 : f32
    %max3A_13 = vector.broadcast %max3A : f32 to vector<192x256xf32>
    %max3A_14 = arith.maximumf %add3A_12, %max3A_13 : vector<192x256xf32>
    %get3A_15 = arith.constant 0 : index
    %get3A_16 = arith.constant 0 : index
    %get3A_17 = vector.load %arg5[%get3A_15, %get3A_16] : memref<256x256xf32, #tpu.memory_space<vmem>>, vector<256x256xf32>
    %dot_general3A_18 = arith.constant dense<0.000000e+00> : vector<192x256xf32>
    %dot_general3A_19 = tpu.matmul %max3A_14, %get3A_17, %dot_general3A_18 {dimension_numbers = #tpu.dot_dimension_numbers<[1], [0], [0], [1], [0, 0, 1, 1], [], []>, transpose_lhs_hint = false} : vector<192x256xf32>, vector<256x256xf32>, vector<192x256xf32> -> vector<192x256xf32>
    %get3A_20 = arith.constant 0 : index
    %get3A_21 = vector.load %arg6[%get3A_20] : memref<256xf32, #tpu.memory_space<vmem>>, vector<256xf32>
    %broadcast_in_dim3A_22 = vector.shape_cast %get3A_21 : vector<256xf32> to vector<1x256xf32>
    %add3A_23 = vector.broadcast %broadcast_in_dim3A_22 : vector<1x256xf32> to vector<192x256xf32>
    %add3A_24 = arith.addf %dot_general3A_19, %add3A_23 : vector<192x256xf32>
    %max3A_25 = arith.constant 0.000000e+00 : f32
    %max3A_26 = vector.broadcast %max3A_25 : f32 to vector<192x256xf32>
    %max3A_27 = arith.maximumf %add3A_24, %max3A_26 : vector<192x256xf32>
    %get3A_28 = arith.constant 0 : index
    %get3A_29 = arith.constant 0 : index
    %get3A_30 = vector.load %arg7[%get3A_28, %get3A_29] : memref<256x1xf32, #tpu.memory_space<vmem>>, vector<256x1xf32>
    %dot_general3A_31 = arith.constant dense<0.000000e+00> : vector<192x1xf32>
    %dot_general3A_32 = tpu.matmul %max3A_27, %get3A_30, %dot_general3A_31 {dimension_numbers = #tpu.dot_dimension_numbers<[1], [0], [0], [1], [0, 0, 1, 1], [], []>, transpose_lhs_hint = false} : vector<192x256xf32>, vector<256x1xf32>, vector<192x1xf32> -> vector<192x1xf32>
    %get3A_33 = arith.constant 0 : index
    %get3A_34 = vector.load %arg8[%get3A_33] : memref<1xf32, #tpu.memory_space<vmem>>, vector<1xf32>
    %broadcast_in_dim3A_35 = vector.shape_cast %get3A_34 : vector<1xf32> to vector<1x1xf32>
    %add3A_36 = vector.broadcast %broadcast_in_dim3A_35 : vector<1x1xf32> to vector<192x1xf32>
    %add3A_37 = arith.addf %dot_general3A_32, %add3A_36 : vector<192x1xf32>
    %swap3A = arith.constant 0 : index
    %swap3A_38 = arith.constant 0 : index
    %swap3A_39 = vector.load %arg9[%swap3A, %swap3A_38] : memref<500x1xf32, #tpu.memory_space<vmem>>, vector<192x1xf32>
    tpu.vector_store %arg9[%swap3A, %swap3A_38], %add3A_37 {strides = array<i32>} : memref<500x1xf32, #tpu.memory_space<vmem>>, vector<192x1xf32>,
    %get3A_40 = arith.constant 0 : index
    %get3A_41 = arith.constant 0 : index
    %get3A_42 = vector.load %arg1[%get3A_40, %get3A_41] : memref<308x128xf32, #tpu.memory_space<vmem>>, vector<308x128xf32>
    %slice3A_43 = vector.extract_strided_slice %convert_element_type3A {offsets = [192, 0], sizes = [308, 1], strides = [1, 1]} : vector<500x1xf32> to vector<308x1xf32>
    %div3A_44 = vector.broadcast %slice3A_43 : vector<308x1xf32> to vector<308x128xf32>
    %div3A_45 = arith.divf %get3A_42, %div3A_44 : vector<308x128xf32>
    %get3A_46 = arith.constant 0 : index
    %get3A_47 = arith.constant 0 : index
    %get3A_48 = vector.load %arg3[%get3A_46, %get3A_47] : memref<128x256xf32, #tpu.memory_space<vmem>>, vector<128x256xf32>
    %dot_general3A_49 = arith.constant dense<0.000000e+00> : vector<308x256xf32>
    %dot_general3A_50 = tpu.matmul %div3A_45, %get3A_48, %dot_general3A_49 {dimension_numbers = #tpu.dot_dimension_numbers<[1], [0], [0], [1], [0, 0, 1, 1], [], []>, transpose_lhs_hint = false} : vector<308x128xf32>, vector<128x256xf32>, vector<308x256xf32> -> vector<308x256xf32>
    %get3A_51 = arith.constant 0 : index
    %get3A_52 = vector.load %arg4[%get3A_51] : memref<256xf32, #tpu.memory_space<vmem>>, vector<256xf32>
    %broadcast_in_dim3A_53 = vector.shape_cast %get3A_52 : vector<256xf32> to vector<1x256xf32>
    %add3A_54 = vector.broadcast %broadcast_in_dim3A_53 : vector<1x256xf32> to vector<308x256xf32>
    %add3A_55 = arith.addf %dot_general3A_50, %add3A_54 : vector<308x256xf32>
    %max3A_56 = arith.constant 0.000000e+00 : f32
    %max3A_57 = vector.broadcast %max3A_56 : f32 to vector<308x256xf32>
    %max3A_58 = arith.maximumf %add3A_55, %max3A_57 : vector<308x256xf32>
    %get3A_59 = arith.constant 0 : index
    %get3A_60 = arith.constant 0 : index
    %get3A_61 = vector.load %arg5[%get3A_59, %get3A_60] : memref<256x256xf32, #tpu.memory_space<vmem>>, vector<256x256xf32>
    %dot_general3A_62 = arith.constant dense<0.000000e+00> : vector<308x256xf32>
    %dot_general3A_63 = tpu.matmul %max3A_58, %get3A_61, %dot_general3A_62 {dimension_numbers = #tpu.dot_dimension_numbers<[1], [0], [0], [1], [0, 0, 1, 1], [], []>, transpose_lhs_hint = false} : vector<308x256xf32>, vector<256x256xf32>, vector<308x256xf32> -> vector<308x256xf32>
    %get3A_64 = arith.constant 0 : index
    %get3A_65 = vector.load %arg6[%get3A_64] : memref<256xf32, #tpu.memory_space<vmem>>, vector<256xf32>
    %broadcast_in_dim3A_66 = vector.shape_cast %get3A_65 : vector<256xf32> to vector<1x256xf32>
    %add3A_67 = vector.broadcast %broadcast_in_dim3A_66 : vector<1x256xf32> to vector<308x256xf32>
    %add3A_68 = arith.addf %dot_general3A_63, %add3A_67 : vector<308x256xf32>
    %max3A_69 = arith.constant 0.000000e+00 : f32
    %max3A_70 = vector.broadcast %max3A_69 : f32 to vector<308x256xf32>
    %max3A_71 = arith.maximumf %add3A_68, %max3A_70 : vector<308x256xf32>
    %get3A_72 = arith.constant 0 : index
    %get3A_73 = arith.constant 0 : index
    %get3A_74 = vector.load %arg7[%get3A_72, %get3A_73] : memref<256x1xf32, #tpu.memory_space<vmem>>, vector<256x1xf32>
    %dot_general3A_75 = arith.constant dense<0.000000e+00> : vector<308x1xf32>
    %dot_general3A_76 = tpu.matmul %max3A_71, %get3A_74, %dot_general3A_75 {dimension_numbers = #tpu.dot_dimension_numbers<[1], [0], [0], [1], [0, 0, 1, 1], [], []>, transpose_lhs_hint = false} : vector<308x256xf32>, vector<256x1xf32>, vector<308x1xf32> -> vector<308x1xf32>
    %get3A_77 = arith.constant 0 : index
    %get3A_78 = vector.load %arg8[%get3A_77] : memref<1xf32, #tpu.memory_space<vmem>>, vector<1xf32>
    %broadcast_in_dim3A_79 = vector.shape_cast %get3A_78 : vector<1xf32> to vector<1x1xf32>
    %add3A_80 = vector.broadcast %broadcast_in_dim3A_79 : vector<1x1xf32> to vector<308x1xf32>
    %add3A_81 = arith.addf %dot_general3A_76, %add3A_80 : vector<308x1xf32>
    %swap3A_82 = arith.constant 192 : index
    %swap3A_83 = arith.constant 0 : index
    %swap3A_84 = vector.load %arg9[%swap3A_82, %swap3A_83] : memref<500x1xf32, #tpu.memory_space<vmem>>, vector<308x1xf32>
    tpu.vector_store %arg9[%swap3A_82, %swap3A_83], %add3A_81 {strides = array<i32>} : memref<500x1xf32, #tpu.memory_space<vmem>>, vector<308x1xf32>,
    return
  }
}

</mosaic_0001>

<sc_bundles>
// kernel: kernel.5.cloned.1.call-start
scs
__scs_entry_jumppad:
0x0: {  	(pc) =	sbr.rel $0x88, $3  }
0x1: {  	(tag) =	ssettag $0x0;
	lr =	simm.s32 $0x1  }
0x2: {  	[smem:$0x3F99] =	sst lr;
	_ =	strace $0xD0000000  }
0x3: {  	_ = 	snop  }
0x4: {  	_ = 	snop  }
0x5: {  	_ = 	snop  }
0x6: {  	_ = 	snop  }
0x7: {  	_ = 	snop  }
__scs_overlays_trampoline_lowered:
0x8: {  	[smem:$0x3FA8] =	sst s0  }
0x9: {  	[smem:$0x3FA9] =	sst s1  }
0xa: {  	[smem:$0x3FAA] =	sst s2  }
0xb: {  	[smem:$0x3FAB] =	sst s3  }
0xc: {  	[smem:$0x3FAC] =	sst s4  }
0xd: {  	[smem:$0x3FAD] =	sst s5  }
0xe: {  	[smem:$0x3FAE] =	sst s6  }
0xf: {  	[smem:$0x3FAF] =	sst s7  }
0x10: {  	[smem:$0x3FB0] =	sst s8  }
0x11: {  	[smem:$0x3FB1] =	sst s9;
	s0 =	simm.s32 @!p0 $0x0  }
0x12: {  	s1 =	sld [smem:$0x3F97];
	s0 =	simm.s32 @p0 $0x1  }
0x13: {  	[smem:$0x3FB2] =	sst s0;
	s0 =	simm.s32 @!p1 $0x0  }
0x14: {  	s2 =	sld [smem:$0x3F96];
	s0 =	simm.s32 @p1 $0x1  }
0x15: {  	[smem:$0x3FB3] =	sst s0;
	s0 =	simm.s32 @!p2 $0x0  }
0x16: {  	s3 =	sld [smem:$0x3FDB];
	s0 =	simm.s32 @p2 $0x1  }
0x17: {  	s4 =	simm.s32 $0x1BF5;
	[smem:$0x3FB5] =	sst s0  }
0x18: {  	s0 =	sld [smem:$0x3F98];
	_ =	swait.ge [sflag:s4], $0x0  }
0x19: {  	s7 =	sld [smem:$0x3F99]  }
0x1a: {  	s8 =	sadd.s32 $0xFFFFE003, lr  }
0x1b: {  	s9 =	sadd.s32 $0xFFFFFEF7, lr;
	s5 =	simm.s32 $0xFFFFFFFF;
	p2 =	slt.u32 s8, $0xFFFFF086  }
0x1c: {  	p1 =	slt.u32 s9, $0xF7A;
	s5 =	simm.s32 @!p2 $0x0  }
0x1d: {  	s5 =	simm.s32 @p1 $0x1;
	p0 =	seq.s32 s7, s2  }
0x1e: {  	s7 =	smul.u32 @!p0 $0xF7A, s2;
	p2 =	seq.s32 @!p0 s5, $0x0  }
0x1f: {  	s9 =	smul.u32 $0xF7A, s1;
	s8 =	simm.s32 @!p0 $0x1BF5;
	p2 =	por !p2, p0  }
0x20: {  	[sflag:s8] =	ssyncset.s32 @!p0 $0xFFFFF086;
	s6 =	sadd.s32 @!p0 s3, s7;
	s7 =	simm.s32 @!p0 $0x108  }
0x21: {  	s3 =	sadd.s32 s3, s9;
	s6 =	sadd.s32 @!p0 $0x88, s6;
	s7 =	simm.s32 @p2 $0x1082  }
0x22: {  	[simem:s7], [sflag:s8] =	dma.local @!p0 [hbm:s6], $0xF7A  }
0x23: {  	s9 =	sor.u32 $0xD0000000, s2;
	s6 =	simm.s32 $0x108;
	_ =	swait.ge @!p0 [sflag:s8], $0x0  }
0x24: {  	s3 =	sadd.s32 $0x88, s3;
	s6 =	simm.s32 @!p1 $0x1082;
	[sflag:s4] =	ssyncset.s32 $0xFFFFF086  }
0x25: {  	[simem:s6], [sflag:s4] =	dma.local [hbm:s3], $0xF7A  }
0x26: {  	[smem:$0x3F99] =	sst s1;
	(tag) =	ssettag s2;
	_ =	strace s9  }
0x27: {  	s1 =	sld [smem:$0x3FA9]  }
0x28: {  	s2 =	sld [smem:$0x3FAA]  }
0x29: {  	s4 =	sld [smem:$0x3FAC]  }
0x2a: {  	p0 =	seq.s32 s5, $0x0;
	s5 =	sld [smem:$0x3FAD]  }
0x2b: {  	s6 =	sld [smem:$0x3FAE]  }
0x2c: {  	s7 =	sld [smem:$0x3FAF]  }
0x2d: {  	s3 =	simm.s32 $0x108;
	s8 =	sld [smem:$0x3FB0]  }
0x2e: {  	s3 =	simm.s32 @!p0 $0x1082;
	s9 =	sld [smem:$0x3FB1]  }
0x2f: {  	lr =	sadd.s32 s0, s3;
	s0 =	sld [smem:$0x3FA8]  }
0x30: {  	s3 =	sld [smem:$0x3FAB]  }
0x31: {  	[smem:$0x3FB4] =	sst s10  }
0x32: {  	s10 =	sld [smem:$0x3FB2];
	_ =	sdelay $0x3  }
0x33: {  	p0 =	seq.s32 s10, $0x1;
	s10 =	sld [smem:$0x3FB4];
	_ =	sdelay $0x3  }
0x34: {  	[smem:$0x3FB4] =	sst s10  }
0x35: {  	s10 =	sld [smem:$0x3FB3];
	_ =	sdelay $0x3  }
0x36: {  	p1 =	seq.s32 s10, $0x1;
	s10 =	sld [smem:$0x3FB4];
	_ =	sdelay $0x3  }
0x37: {  	[smem:$0x3FB4] =	sst s10  }
0x38: {  	s10 =	sld [smem:$0x3FB5]  }
0x39: {  	_ = 	snop;
	(pc) =	sbr.ind lr, $3  }
0x3a: {  	_ = 	snop  }
0x3b: {  	_ = 	snop  }
0x3c: {  	p2 =	seq.s32 s10, $0x1;
	s10 =	sld [smem:$0x3FB4]  }
0x3d: {  	_ =	shalt  }
0x3e: {  	_ =	shalt  }
0x3f: {  	_ =	shalt  }
0x40: {  	_ =	shalt  }
0x41: {  	_ =	shalt  }
0x42: {  	_ =	shalt  }
0x43: {  	_ =	shalt  }
0x44: {  	_ =	shalt  }
0x45: {  	_ =	shalt  }
0x46: {  	_ =	shalt  }
0x47: {  	_ =	shalt  }
0x48: {  	_ =	shalt  }
0x49: {  	_ =	shalt  }
0x4a: {  	_ =	shalt  }
0x4b: {  	_ =	shalt  }
0x4c: {  	_ =	shalt  }
0x4d: {  	_ =	shalt  }
0x4e: {  	_ =	shalt  }
0x4f: {  	_ =	shalt  }
0x50: {  	_ =	shalt  }
0x51: {  	_ =	shalt  }
0x52: {  	_ =	shalt  }
0x53: {  	_ =	shalt  }
0x54: {  	_ =	shalt  }
0x55: {  	_ =	shalt  }
0x56: {  	_ =	shalt  }
0x57: {  	_ =	shalt  }
0x58: {  	_ =	shalt  }
0x59: {  	_ =	shalt  }
0x5a: {  	_ =	shalt  }
0x5b: {  	_ =	shalt  }
0x5c: {  	_ =	shalt  }
0x5d: {  	_ =	shalt  }
0x5e: {  	_ =	shalt  }
0x5f: {  	_ =	shalt  }
0x60: {  	_ =	shalt  }
0x61: {  	_ =	shalt  }
0x62: {  	_ =	shalt  }
0x63: {  	_ =	shalt  }
0x64: {  	_ =	shalt  }
0x65: {  	_ =	shalt  }
0x66: {  	_ =	shalt  }
0x67: {  	_ =	shalt  }
0x68: {  	_ =	shalt  }
0x69: {  	_ =	shalt  }
0x6a: {  	_ =	shalt  }
0x6b: {  	_ =	shalt  }
0x6c: {  	_ =	shalt  }
0x6d: {  	_ =	shalt  }
0x6e: {  	_ =	shalt  }
0x6f: {  	_ =	shalt  }
0x70: {  	_ =	shalt  }
0x71: {  	_ =	shalt  }
0x72: {  	_ =	shalt  }
0x73: {  	_ =	shalt  }
0x74: {  	_ =	shalt  }
0x75: {  	_ =	shalt  }
0x76: {  	_ =	shalt  }
0x77: {  	_ =	shalt  }
0x78: {  	_ =	shalt  }
0x79: {  	_ =	shalt  }
0x7a: {  	_ =	shalt  }
0x7b: {  	_ =	shalt  }
0x7c: {  	_ =	shalt  }
0x7d: {  	_ =	shalt  }
0x7e: {  	_ =	shalt  }
0x7f: {  	_ =	shalt  }
0x80: {  	_ =	shalt  }
0x81: {  	_ =	shalt  }
0x82: {  	_ =	shalt  }
0x83: {  	_ =	shalt  }
0x84: {  	_ =	shalt  }
0x85: {  	_ =	shalt  }
0x86: {  	_ =	shalt  }
0x87: {  	_ =	shalt  }
.Lfunc_end0:
.L_simem_size_0:
called_computation_lowered:
.L_overlay_start_0:
0x88: {  	s2 =	sld [smem:$0x3FD9]  }
0x89: {  	s3 =	sld [smem:$0x3FFE];
	_ =	sdelay $0x1  }
0x8a: {  	s1 =	srdreg.scid  }
0x8b: {  	s0 =	sand.u32 $0x1, s1  }
0x8c: {  	s17 =	sshll.u32 s0, $0xA;
	s2 =	sadd.s32 s3, s2  }
0x8d: {  	s2 =	sadd.s32 s2, s17  }
0x8e: {  	[smem:$0x3FC0] =	sst s2  }
0x8f: {  	_ = 	snop  }
0x90: {  	s2 =	sld [smem:$0x3FC9];
	(tm) =	ssettm $0x1  }
0x91: {  	s18 =	sld [smem:$0x3FFB];
	_ =	sdelay $0x3  }
0x92: {  	_ =	strace s18  }
0x93: {  	s3 =	sld [smem:$0x3FFC];
	_ =	sdelay $0x3  }
0x94: {  	_ =	strace s3  }
0x95: {  	s3 =	sld [smem:$0x3FFD];
	_ =	sdelay $0x3  }
0x96: {  	_ =	strace s3  }
0x97: {  	_ =	strace $0x8FFFFFFF  }
0x98: {  	s19 =	sld [smem:$0x3FDB];
	_ =	sdelay $0x1  }
0x99: {  	s4 =	simm.s32 $_scs_section_size  }
0x9a: {  	s5 =	simm.s32 $_size__tile_overlayer_lowered;
	s6 =	simm.s32 $_tile_overlayer_lowered  }
0x9b: {  	s22 =	simm.s32 $0x1BFF;
	s21 =	sshll.u32 s6, $0x1;
	s3 =	sadd.s32 s4, s19  }
0x9c: {  	s7 =	simm.s32 $0x0;
	s20 =	sshll.u32 s5, $0x1;
	s5 =	sadd.s32 s21, s3  }
0x9d: {  	[timem:s7], [sflag:s22] =	dma.local [hbm:s5], s20  }
0x9e: {  	_ =	swait.ge [sflag:s22], s20  }
0x9f: {  	s4 =	ssub.s32 $0x0, s20;
	[sflag:s22] =	ssyncset.done $0x0  }
0xa0: {  	[sflag:s22] =	ssyncadd.s32 s4;
	_ =	sdelay $0x1  }
0xa1: {  	s23 =	simm.s32 $0x1B8B  }
0xa2: {  	_ =	swait.ge [sflag:s23], $0x1  }
0xa3: {  	[sflag:s23] =	ssyncset.done $0x0  }
0xa4: {  	s25 =	simm.s32 $0x1B8E;
	s24 =	sld [smem:$0x3FFE];
	[sflag:s23] =	ssyncadd.s32 $0xFFFFFFFF  }
0xa5: {  	s26 =	simm.s32 $execute0_lowered;
	[smem:$0x3FD2] =	sst s25  }
0xa6: {  	s5 =	sshll.u32 s26, $0x1;
	_ =	strace $0x80000046;
	[dreg:$0x1] =	wrdreg $0xFFFFFFFF  }
0xa7: {  	s28 =	simm.s32 $_size_execute0_lowered;
	s3 =	sadd.s32 s3, s5;
	[dreg:$0x0] =	wrdreg $0x0  }
0xa8: {  	s5 =	sshll.u32 s28, $0x1;
	[dreg:$0x2] =	wrdreg s3  }
0xa9: {  	[dreg:$0x3] =	wrdreg s5  }
0xaa: {  	[dreg:$0x4] =	wrdreg $0xC0  }
0xab: {  	_ =	task [dreg:s7], $0x5FFFF  }
0xac: {  	[dreg:$0x1] =	wrdreg $0xFFFFFFFF  }
0xad: {  	[dreg:$0x0] =	wrdreg $0x60  }
0xae: {  	[dreg:$0x2] =	wrdreg s2  }
0xaf: {  	[dreg:$0x3] =	wrdreg s24  }
0xb0: {  	[dreg:$0x4] =	wrdreg $0x9  }
0xb1: {  	_ =	task.clear_ibuf [dreg:s7], $0x5FFFF;
	_ =	strace $0x90000046  }
0xb2: {  	s29 =	simm.s32 $0x9;
	_ =	strace $0x80000048  }
0xb3: {  	_ =	swait.ge [sflag:s29], $0x1  }
0xb4: {  	[sflag:s29] =	ssyncadd.s32 $0xFFFFFFFF  }
0xb5: {  	_ =	strace $0x90000048  }
0xb6: {  	_ =	sfence  }
0xb7: {  	s30 =	sld [smem:$0x0];
	_ =	sdelay $0x2  }
0xb8: {  	s31 =	sshll.u32 s1, $0xD;
	s1 =	sshrl.u32 s1, $0x2  }
0xb9: {  	s3 =	sand.u32 $0x4000, s31;
	s1 =	sadd.s32 s1, s30  }
0xba: {  	s0 =	sor.u32 s3, s0;
	s1 =	sshll.u32 s1, $0x11  }
0xbb: {  	s0 =	sor.u32 s1, s0  }
0xbc: {  	s0 =	sadd.s32 $0x8F2B, s0  }
0xbd: {  	[sflag:s0] =	ssyncadd.remote.s32 $0x1  }
0xbe: {  	_ =	sfence.sel $0xFFFF  }
0xbf: {  	[dreg:$0x0] =	wrdreg $0xFFFFFFFF;
	(pc) =	sbr.abs _section_cstart, $3  }
0xc0: {  	[dreg:$0x1] =	wrdreg $0xFFFFFFFF  }
0xc1: {  	_ =	task.clear_ibuf [dreg:s7], $0x2FFFF;
	_ =	strace $0x9FFFFFFF  }
0xc2: {  	(tm) =	ssettm $0x7FFFFFFF  }
0xc3: {  	_ =	shalt  }
tec
execute0_lowered:
.L_overlay_start_1:
0x0: {  	(tag) =	ssettag $0x1  }
0x1: {  	s2 =	rddreg [dreg:$0x0]  }
0x2: {  	s4 =	rddreg [dreg:$0x1]  }
0x3: {  	s0 =	rddreg [dreg:$0x2]  }
0x4: {  	s5 =	srdreg.scid;
	s1 =	stileid.u32  }
0x5: {  	s3 =	simm.s32 $0x0;
	s11 =	simm.s32 $0xC800;
	s12 =	simm.s32 $0x3  }
0x6: {  	s13 =	simm.s32 $0x2;
	s14 =	simm.s32 $0x0;
	s5 =	sand.u32 $0x1, s5  }
0x7: {  	s6 =	sshll.u32 s1, $0x1;
	[smem:$0x7FF] =	sst s3;
	s8 =	sadd.s32 $0x1200, s4  }
0x8: {  	s29 =	sshll.u32 s1, $0x5;
	s7 =	ssub.s32 $0x2, s5;
	s9 =	sor.u32 s5, s6  }
0x9: {  	_ =	strace $0x80000047;
	s28 =	sshrl.u32 s7, $0x1;
	s6 =	smul.u32 $0xC80, s9  }
0xa: {  	s30 =	sand.u32 $0x180, s29;
	s31 =	sshll.u32 s9, $0x4;
	s10 =	ssub.s32 s7, s28  }
0xb: {  	s7 =	sand.u32 $0x70, s31;
	s4 =	sadd.s32 s2, s6;
	s6 =	sadd.s32 s8, s30  }
0xc: {  	s5 =	sor.u32 $0x40, s9;
	s9 =	sor.u32 $0x20, s9;
	s6 =	sadd.s32 s7, s6  }
0xd: {  	s7 =	sadd.s32 s8, s7;
	s8 =	smax.u32 s10, $0x1;
	s10 =	simm.s32 $0x1  }
.LBB2_1:
0xe: {  	s15 =	sadd.s32 $0x0, s4;
	s16 =	simm.s32 $0x10;
	s17 =	simm.s32 $0x0  }
0xf: {  	[tilespmem:s3], [sflag:$0x1] =	stream.linear.gather [hbm4b:s15+s3], $0x80, $0x38;
	[tilespmem:$0xC880] =	vst v63  }
.LBB2_2:
0x10: {  	p0 =	sne.s32 s16, $0xC70  }
.Ltmp0:
0x11: {  	_ = 	snop;
	(pc) =	sbr.rel @p0 .LBB2_2-.Ltmp0, $4  }
0x12: {  	_ = 	snop  }
0x13: {  	s18 =	sadd.s32 s16, s4;
	s17 =	sadd.s32 $0x100, s17  }
0x14: {  	s15 =	simm.s32 $0x0;
	s16 =	sadd.s32 $0x10, s16  }
0x15: {  	[tilespmem:s17], [sflag:$0x1] =	stream.linear.gather [hbm4b:s18+s15], $0x80, $0x38;
	[tilespmem:$0xC880] =	vst v63  }
.LBB2_3:
0x16: {  	s17 =	sshll.u32 s15, $0x6  }
0x17: {  	s16 =	sor.u32 s9, s17  }
0x18: {  	s18 =	smul.u32 $0xC80, s16;
	_ =	sdelay $0x1  }
0x19: {  	s19 =	simm.s32 $0x80;
	s18 =	sadd.s32 s2, s18  }
0x1a: {  	s20 =	simm.s32 $0x10;
	s21 =	simm.s32 $0x180;
	s22 =	sadd.s32 $0x0, s18  }
.LBB2_4:
0x1b: {  	[tilespmem:s19], [sflag:$0x2] =	stream.linear.gather [hbm4b:s22+s3], $0x80, $0x38;
	[tilespmem:$0xC880] =	vst v63  }
0x1c: {  	s22 =	smov.u32 s20;
	s19 =	smov.u32 s21;
	p0 =	sne.s32 s20, $0xC70  }
.Ltmp1:
0x1d: {  	s20 =	sadd.s32 $0x10, s20;
	(pc) =	sbr.rel @p0 .LBB2_4-.Ltmp1, $2  }
0x1e: {  	_ =	sdelay $0x2  }
0x1f: {  	s21 =	sadd.s32 $0x100, s21;
	s22 =	sadd.s32 s22, s18  }
0x20: {  	[tilespmem:s19], [sflag:$0x2] =	stream.linear.gather [hbm4b:s22+s3], $0x80, $0x38;
	[tilespmem:$0xC880] =	vst v63  }
0x21: {  	_ =	swait.ge [sflag:s10], $0x6400  }
0x22: {  	[sflag:s10] =	ssyncset.done $0x0  }
0x23: {  	s20 =	simm.s32 $0x0;
	[sflag:s10] =	ssyncadd.s32 $0xFFFF9C00  }
0x24: {  	v0 =	vld [tilespmem:s20+$0x70]  }
0x25: {  	v2 =	vld [tilespmem:s20+$0x0]  }
0x26: {  	v3 =	vld [tilespmem:s20+$0x10]  }
0x27: {  	v11 =	vld [tilespmem:s20+$0x20]  }
0x28: {  	v10 =	vld [tilespmem:s20+$0x30]  }
0x29: {  	v1 =	vimm.f32 $0.0e+00;
	v6 =	vimm.f32 $0.0e+00;
	v7 =	vld [tilespmem:s20+$0x40]  }
0x2a: {  	v8 =	vimm.f32 $0.0e+00;
	v4 =	vimm.f32 $0.0e+00;
	v9 =	vld [tilespmem:s20+$0x50];
	v0 =	vadd.f32 v0, v1  }
0x2b: {  	s18 =	simm.s32 $0x100;
	s19 =	simm.s32 $0x800;
	v12 =	vld [tilespmem:s20+$0x60];
	v5 =	vadd.f32 v2, v1;
	v3 =	vadd.f32 v3, v1;
	v2 =	vimm.f32 $0.0e+00  }
.LBB2_6:
0x2c: {  	p0 =	sne.s32 s19, $0x31C00;
	v13 =	vld [tilespmem:s18+$0x70];
	v1 =	vadd.f32 v11, v1  }
0x2d: {  	v14 =	vld [tilespmem:s18+$0x0];
	v6 =	vadd.f32 v10, v6  }
0x2e: {  	v15 =	vld [tilespmem:s18+$0x10];
	v8 =	vadd.f32 v7, v8  }
.Ltmp2:
0x2f: {  	v11 =	vld [tilespmem:s18+$0x20];
	v4 =	vadd.f32 v9, v4;
	(pc) =	sbr.rel @p0 .LBB2_6-.Ltmp2, $4  }
0x30: {  	v10 =	vld [tilespmem:s18+$0x30];
	v2 =	vadd.f32 v12, v2  }
0x31: {  	v7 =	vld [tilespmem:s18+$0x40];
	v0 =	vadd.f32 v13, v0  }
0x32: {  	v5 =	vadd.f32 v14, v5;
	v9 =	vld [tilespmem:s18+$0x50]  }
0x33: {  	v3 =	vadd.f32 v15, v3;
	v12 =	vld [tilespmem:s18+$0x60];
	s18 =	sshra.s32 s19, $0x2;
	s19 =	sadd.s32 $0x400, s19  }
0x34: {  	v14 =	vld [tilespmem:s18+$0x0]  }
0x35: {  	v15 =	vld [tilespmem:s18+$0x10]  }
0x36: {  	v16 =	vld [tilespmem:s18+$0x20]  }
0x37: {  	v17 =	vld [tilespmem:s18+$0x30]  }
0x38: {  	v18 =	vld [tilespmem:s18+$0x40]  }
0x39: {  	v1 =	vadd.f32 v11, v1;
	v59 =	vld [tilespmem:s18+$0x50];
	v5 =	vadd.f32 v14, v5  }
0x3a: {  	v13 =	vld [tilespmem:s18+$0x70];
	v6 =	vadd.f32 v10, v6;
	v3 =	vadd.f32 v15, v3  }
0x3b: {  	v60 =	vld [tilespmem:s18+$0x60];
	v7 =	vadd.f32 v7, v8;
	v1 =	vadd.f32 v16, v1;
	[tilespmem:$0xC800] =	vst v5  }
0x3c: {  	v4 =	vadd.f32 v9, v4;
	v61 =	vadd.f32 v17, v6;
	[tilespmem:$0xC810] =	vst v3  }
0x3d: {  	v62 =	vadd.f32 v18, v7;
	[tilespmem:$0xC820] =	vst v1  }
0x3e: {  	v2 =	vadd.f32 v12, v2;
	v63 =	vadd.f32 v59, v4;
	[tilespmem:$0xC830] =	vst v61  }
0x3f: {  	v0 =	vadd.f32 v13, v0;
	[tilespmem:$0xC840] =	vst v62  }
0x40: {  	v2 =	vadd.f32 v60, v2;
	[tilespmem:$0xC850] =	vst v63  }
0x41: {  	s31 =	sshll.u32 s15, $0xA;
	p0 =	seq.s32 s15, $0x2;
	[tilespmem:$0xC870] =	vst v0  }
.Ltmp3:
0x42: {  	s18 =	sadd.s32 s31, s6;
	[tilespmem:$0xC860] =	vst v2;
	(pc) =	sbr.rel @p0 .LBB2_11-.Ltmp3, $4  }
0x43: {  	[hbm4b:s18+s3] =	stream.linear.scatter [tilespmem:s11], [sflag:$0x3], $0x80, $0x38;
	[tilespmem:$0xC880] =	vst v63  }
0x44: {  	_ =	swait.ge [sflag:s12], $0x80  }
0x45: {  	[sflag:s12] =	ssyncset.done $0x0  }
0x46: {  	[sflag:s12] =	ssyncadd.s32 $0xFFFFFF80  }
0x47: {  	s17 =	sadd.s32 s5, s17  }
0x48: {  	s17 =	smul.u32 $0xC80, s17;
	_ =	sdelay $0x1  }
0x49: {  	s18 =	simm.s32 $0x0;
	s17 =	sadd.s32 s2, s17  }
0x4a: {  	s19 =	simm.s32 $0x10;
	s20 =	simm.s32 $0x100;
	s21 =	sadd.s32 $0x0, s17  }
.LBB2_9:
0x4b: {  	[tilespmem:s18], [sflag:$0x1] =	stream.linear.gather [hbm4b:s21+s3], $0x80, $0x38;
	[tilespmem:$0xC880] =	vst v63  }
0x4c: {  	s21 =	smov.u32 s19;
	s18 =	smov.u32 s20;
	p0 =	sne.s32 s19, $0xC70  }
.Ltmp4:
0x4d: {  	s19 =	sadd.s32 $0x10, s19;
	(pc) =	sbr.rel @p0 .LBB2_9-.Ltmp4, $2  }
0x4e: {  	_ =	sdelay $0x2  }
0x4f: {  	s20 =	sadd.s32 $0x100, s20;
	s21 =	sadd.s32 s21, s17  }
0x50: {  	[tilespmem:s18], [sflag:$0x1] =	stream.linear.gather [hbm4b:s21+s3], $0x80, $0x38;
	[tilespmem:$0xC880] =	vst v63  }
.LBB2_11:
0x51: {  	_ =	swait.ge [sflag:s13], $0x6400  }
0x52: {  	[sflag:s13] =	ssyncset.done $0x0  }
0x53: {  	s19 =	simm.s32 $0x0;
	[sflag:s13] =	ssyncadd.s32 $0xFFFF9C00  }
0x54: {  	v0 =	vld [tilespmem:s19+$0xF0]  }
0x55: {  	v2 =	vld [tilespmem:s19+$0x80]  }
0x56: {  	v3 =	vld [tilespmem:s19+$0x90]  }
0x57: {  	v11 =	vld [tilespmem:s19+$0xA0]  }
0x58: {  	v10 =	vld [tilespmem:s19+$0xB0]  }
0x59: {  	v1 =	vimm.f32 $0.0e+00;
	v6 =	vimm.f32 $0.0e+00;
	v7 =	vld [tilespmem:s19+$0xC0]  }
0x5a: {  	v8 =	vimm.f32 $0.0e+00;
	v4 =	vimm.f32 $0.0e+00;
	v9 =	vld [tilespmem:s19+$0xD0];
	v0 =	vadd.f32 v0, v1  }
0x5b: {  	s17 =	simm.s32 $0x100;
	s18 =	simm.s32 $0x800;
	v12 =	vld [tilespmem:s19+$0xE0];
	v5 =	vadd.f32 v2, v1;
	v3 =	vadd.f32 v3, v1;
	v2 =	vimm.f32 $0.0e+00  }
.LBB2_12:
0x5c: {  	p0 =	sne.s32 s18, $0x31C00;
	v13 =	vld [tilespmem:s17+$0xF0];
	v1 =	vadd.f32 v11, v1  }
0x5d: {  	v14 =	vld [tilespmem:s17+$0x80];
	v6 =	vadd.f32 v10, v6  }
0x5e: {  	v15 =	vld [tilespmem:s17+$0x90];
	v8 =	vadd.f32 v7, v8  }
.Ltmp5:
0x5f: {  	v11 =	vld [tilespmem:s17+$0xA0];
	v4 =	vadd.f32 v9, v4;
	(pc) =	sbr.rel @p0 .LBB2_12-.Ltmp5, $4  }
0x60: {  	v10 =	vld [tilespmem:s17+$0xB0];
	v2 =	vadd.f32 v12, v2  }
0x61: {  	v7 =	vld [tilespmem:s17+$0xC0];
	v0 =	vadd.f32 v13, v0  }
0x62: {  	v5 =	vadd.f32 v14, v5;
	v9 =	vld [tilespmem:s17+$0xD0]  }
0x63: {  	v3 =	vadd.f32 v15, v3;
	v12 =	vld [tilespmem:s17+$0xE0];
	s17 =	sshra.s32 s18, $0x2;
	s18 =	sadd.s32 $0x400, s18  }
0x64: {  	v14 =	vld [tilespmem:s17+$0x80]  }
0x65: {  	v15 =	vld [tilespmem:s17+$0x90]  }
0x66: {  	v16 =	vld [tilespmem:s17+$0xA0]  }
0x67: {  	v17 =	vld [tilespmem:s17+$0xB0]  }
0x68: {  	v18 =	vld [tilespmem:s17+$0xC0]  }
0x69: {  	v1 =	vadd.f32 v11, v1;
	v59 =	vld [tilespmem:s17+$0xD0];
	v5 =	vadd.f32 v14, v5  }
0x6a: {  	v13 =	vld [tilespmem:s17+$0xF0];
	v6 =	vadd.f32 v10, v6;
	v3 =	vadd.f32 v15, v3  }
0x6b: {  	v60 =	vld [tilespmem:s17+$0xE0];
	v7 =	vadd.f32 v7, v8;
	v1 =	vadd.f32 v16, v1;
	[tilespmem:$0xC800] =	vst v5  }
0x6c: {  	v4 =	vadd.f32 v9, v4;
	v61 =	vadd.f32 v17, v6;
	[tilespmem:$0xC810] =	vst v3  }
0x6d: {  	v62 =	vadd.f32 v18, v7;
	[tilespmem:$0xC820] =	vst v1  }
0x6e: {  	v2 =	vadd.f32 v12, v2;
	v63 =	vadd.f32 v59, v4;
	[tilespmem:$0xC830] =	vst v61  }
0x6f: {  	v0 =	vadd.f32 v13, v0;
	[tilespmem:$0xC840] =	vst v62  }
0x70: {  	s16 =	sshll.u32 s16, $0x4;
	s15 =	sadd.s32 $0x1, s15;
	v2 =	vadd.f32 v60, v2;
	[tilespmem:$0xC850] =	vst v63  }
0x71: {  	s16 =	sand.u32 $0xF80, s16;
	p0 =	sne.s32 s15, $0x3;
	[tilespmem:$0xC870] =	vst v0  }
.Ltmp6:
0x72: {  	s16 =	sadd.s32 s16, s7;
	[tilespmem:$0xC860] =	vst v2;
	(pc) =	sbr.rel @p0 .LBB2_3-.Ltmp6, $4  }
0x73: {  	[hbm4b:s16+s3] =	stream.linear.scatter [tilespmem:s11], [sflag:$0x3], $0x80, $0x38;
	[tilespmem:$0xC880] =	vst v63  }
0x74: {  	_ =	swait.ge [sflag:s12], $0x80  }
0x75: {  	[sflag:s12] =	ssyncset.done $0x0  }
0x76: {  	[sflag:s12] =	ssyncadd.s32 $0xFFFFFF80  }
0x77: {  	s14 =	sadd.s32 $0x1, s14  }
0x78: {  	p0 =	sne.s32 s14, s8  }
.Ltmp7:
0x79: {  	_ = 	snop;
	(pc) =	sbr.rel @p0 .LBB2_1-.Ltmp7, $1  }
0x7a: {  	_ =	sdelay $0x3  }
0x7b: {  	_ =	sfence.sel $0x180000  }
0x7c: {  	[bflag:$0x0] =	sbarrier.arrive $0xFFFF  }
0x7d: {  	p0 =	sne.s32 s1, $0x0;
	_ =	strace $0x90000047  }
0x7e: {  	s0 =	sadd.s32 @!p0 $0x100000, s0;
	[bflag:$0x2] =	sbarrier.arrive $0xFFFF  }
0x7f: {  	[sflag:s0] =	ssyncadd.tile.s32 @!p0 $0x1;
	_ =	shalt  }
.Lfunc_end2:
_tile_overlayer_lowered:
.L_overlay_start_2:
0x80: {  	(tag) =	ssettag $0x2  }
0x81: {  	s0 =	rddreg [dreg:$0x0];
	s2 =	stileid.u32  }
0x82: {  	s1 =	rddreg [dreg:$0x1];
	p0 =	sne.s32 s2, $0x0  }
0x83: {  	s3 =	rddreg [dreg:$0x2];
	[bflag:$0x3] =	sbarrier.arrive $0xFFFF;
	s2 =	simm.s32 @!p0 $0x1C03  }
0x84: {  	[timem:s3], [sflag:s2] =	dma.local @!p0 [hbm:s0], s1  }
0x85: {  	s0 =	simm.s32 @!p0 $0x3  }
0x86: {  	_ =	swait.ge @!p0 [sflag:s0], s1  }
0x87: {  	s1 =	ssub.s32 @!p0 $0x0, s1;
	[sflag:s0] =	ssyncset.done @!p0 $0x0  }
0x88: {  	[sflag:s0] =	ssyncadd.s32 @!p0 s1  }
0x89: {  	[bflag:$0x3] =	sbarrier.arrive $0xFFFF  }
0x8a: {  	_ =	shalt  }

</sc_bundles>
